<compile_context>
chip_gen: v7x
topology: tpu7x:2x2x1
jax: 0.10.2.dev20260603
libtpu: 0.0.44.dev20260713+nightly
codegen_flags: <defaults>
</compile_context>

<pallas_src>
import functools

import jax
import jax.numpy as jnp
from jax import lax
from jax.experimental import pallas as pl
from jax.experimental.pallas import tpu as pltpu
from jax.experimental.pallas import tpu_sc as plsc

NUM_NODES = 100000
MEM_DIM = 128
TIME_DIM = 16
EMB_DIM = 128
B = 16384

NC = 2
NS = 16
NW = NC * NS

NCHUNK = 1
CB = B // NCHUNK

GCH = 256


def _sc_gather_body(rows_per_w, mem_hbm, src_hbm, pos_hbm, neg_hbm,
                    out_s, out_p, out_n,
                    idx_v, rows0, rows1, g0, g1, s0, s1):
    wid = lax.axis_index("s") * NC + lax.axis_index("c")
    base = wid * rows_per_w
    nchips = rows_per_w // GCH
    idx_hbms = (src_hbm, pos_hbm, neg_hbm)
    out_hbms = (out_s, out_p, out_n)
    for a in range(3):
        pltpu.sync_copy(idx_hbms[a].at[pl.ds(base, rows_per_w)],
                        idx_v.at[pl.ds(a * rows_per_w, rows_per_w)])
    bufs = (rows0, rows1)
    gsems = (g0, g1)
    ssems = (s0, s1)
    nch = 3 * nchips
    gathers = [None] * nch
    stores = [None] * nch
    for c in range(nch):
        p = c % 2
        if c >= 2:
            stores[c - 2].wait()
        gathers[c] = pltpu.async_copy(
            mem_hbm.at[idx_v.at[pl.ds(c * GCH, GCH)]], bufs[p], gsems[p])
        if c >= 1:
            q = (c - 1) % 2
            gathers[c - 1].wait()
            a, h = divmod(c - 1, nchips)
            stores[c - 1] = pltpu.async_copy(
                bufs[q], out_hbms[a].at[pl.ds(base + h * GCH, GCH)], ssems[q])
    gathers[nch - 1].wait()
    a, h = divmod(nch - 1, nchips)
    stores[nch - 1] = pltpu.async_copy(
        bufs[(nch - 1) % 2], out_hbms[a].at[pl.ds(base + h * GCH, GCH)],
        ssems[(nch - 1) % 2])
    stores[nch - 2].wait()
    stores[nch - 1].wait()


def _sc_gather(memory, src, pos_dst, neg_dst):
    nrows = src.shape[0]
    rows_per_w = nrows // NW
    mesh = plsc.VectorSubcoreMesh(core_axis_name="c", subcore_axis_name="s")
    row_t = jax.ShapeDtypeStruct((nrows, MEM_DIM), jnp.float32)
    fn = pl.kernel(
        functools.partial(_sc_gather_body, rows_per_w),
        out_type=(row_t, row_t, row_t),
        mesh=mesh,
        scratch_types=[
            pltpu.VMEM((3 * rows_per_w,), jnp.int32),
            pltpu.VMEM((GCH, MEM_DIM), jnp.float32),
            pltpu.VMEM((GCH, MEM_DIM), jnp.float32),
            pltpu.SemaphoreType.DMA,
            pltpu.SemaphoreType.DMA,
            pltpu.SemaphoreType.DMA,
            pltpu.SemaphoreType.DMA,
        ],
    )
    return fn(memory, src, pos_dst, neg_dst)


BLK = 2048


def _fast_cos(x):
    q = jnp.round(x * 0.6366197723675814)
    r = x - q * 1.5707963705062866
    r = r + q * 4.3711388e-08
    z = r * r
    sinp = r * (1.0 + z * (-0.16666667 + z * (0.0083333310
                + z * (-0.00019840874 + z * 2.7525562e-6))))
    cosp = 1.0 + z * (-0.5 + z * (0.041666638
                + z * (-0.0013888378 + z * 2.4760495e-5)))
    k = q.astype(jnp.int32) & 3
    val = jnp.where((k & 1) == 1, sinp, cosp)
    return jnp.where((k == 1) | (k == 2), -val, val)


def _tc_body(t_ref, gs_ref, gp_ref, gn_ref,
             w_time_ref, b_time_ref, W_emb_ref, b_emb_ref,
             W1_ref, b1_ref, W2_ref, b2_ref,
             pos_ref, neg_ref):
    wm = W_emb_ref[:MEM_DIM, :]
    wt = W_emb_ref[MEM_DIM:, :]
    w1a = W1_ref[:EMB_DIM, :]
    w1b = W1_ref[EMB_DIM:, :]
    f32 = jnp.float32

    A = jnp.dot(wm, w1a, preferred_element_type=f32)
    C = jnp.dot(wm, w1b, preferred_element_type=f32)
    w1s = w1a + w1b
    wt2 = jnp.dot(wt, w1s, preferred_element_type=f32)
    b_shared = (jnp.dot(b_emb_ref[...].reshape(1, EMB_DIM), w1s,
                        preferred_element_type=f32)
                + b1_ref[...].reshape(1, EMB_DIM))

    t_enc = _fast_cos(t_ref[...][:, None] * w_time_ref[...] + b_time_ref[...])
    U = jnp.dot(t_enc, wt2, preferred_element_type=f32) + b_shared

    gsA = jnp.dot(gs_ref[...], A, preferred_element_type=f32)
    h_pos = jax.nn.relu(gsA + jnp.dot(gp_ref[...], C, preferred_element_type=f32) + U)
    h_neg = jax.nn.relu(gsA + jnp.dot(gn_ref[...], C, preferred_element_type=f32) + U)

    w2 = W2_ref[...]
    b2 = b2_ref[...]
    pos_ref[...] = jnp.dot(h_pos, w2, preferred_element_type=f32) + b2
    neg_ref[...] = jnp.dot(h_neg, w2, preferred_element_type=f32) + b2


def _tc_dense(t, g_src, g_pos, g_neg, w_time, b_time, W_emb, b_emb, W1, b1, W2, b2):
    nrows = t.shape[0]
    n_blk = nrows // BLK
    full = lambda s: pl.BlockSpec(s, lambda i: (0,) * len(s))
    grid_spec = pltpu.PrefetchScalarGridSpec(
        num_scalar_prefetch=0,
        grid=(n_blk,),
        in_specs=[
            pl.BlockSpec((BLK,), lambda i: (i,)),
            pl.BlockSpec((BLK, MEM_DIM), lambda i: (i, 0)),
            pl.BlockSpec((BLK, MEM_DIM), lambda i: (i, 0)),
            pl.BlockSpec((BLK, MEM_DIM), lambda i: (i, 0)),
            full((1, TIME_DIM)),
            full((TIME_DIM,)),
            full((MEM_DIM + TIME_DIM, EMB_DIM)),
            full((EMB_DIM,)),
            full((2 * EMB_DIM, EMB_DIM)),
            full((EMB_DIM,)),
            full((EMB_DIM, 1)),
            full((1,)),
        ],
        out_specs=[
            pl.BlockSpec((BLK, 1), lambda i: (i, 0)),
            pl.BlockSpec((BLK, 1), lambda i: (i, 0)),
        ],
    )
    return pl.pallas_call(
        _tc_body,
        grid_spec=grid_spec,
        out_shape=[
            jax.ShapeDtypeStruct((nrows, 1), jnp.float32),
            jax.ShapeDtypeStruct((nrows, 1), jnp.float32),
        ],
    )(t, g_src, g_pos, g_neg, w_time, b_time, W_emb, b_emb, W1, b1, W2, b2)


@jax.jit
def kernel(src, pos_dst, neg_dst, t, raw_msg, memory,
           w_time, b_time, W_emb, b_emb, W1, b1, W2, b2):
    del raw_msg
    pos_parts, neg_parts = [], []
    for ci in range(NCHUNK):
        sl = slice(ci * CB, (ci + 1) * CB)
        g_src, g_pos, g_neg = _sc_gather(memory, src[sl], pos_dst[sl], neg_dst[sl])
        p, n = _tc_dense(t[sl], g_src, g_pos, g_neg,
                         w_time, b_time, W_emb, b_emb, W1, b1, W2, b2)
        pos_parts.append(p)
        neg_parts.append(n)
    if NCHUNK == 1:
        return (pos_parts[0], neg_parts[0])
    return (jnp.concatenate(pos_parts), jnp.concatenate(neg_parts))

# --- scband reference (transcript-rebuilt; emitter-appended) ---
"""Pipeline reference for scband-tgn-3255585210956 (READ-ONLY COPY).

The authoritative reference and input builder live on the scoring server;
editing this copy changes nothing except your own understanding.
"""

import jax, jax.numpy as jnp
import numpy as np

NUM_NODES = 100000
MEM_DIM = 128
TIME_DIM = 16
EMB_DIM = 128
MSG_DIM = 16
B = 16384


def setup_inputs(seed: int = 0) -> dict:
    key = jax.random.key(seed)
    ks = jax.random.split(key, 12)
    return {
        "src": jax.random.randint(ks[0], (B,), 0, NUM_NODES, dtype=jnp.int64) if jax.config.jax_enable_x64 else jax.random.randint(ks[0], (B,), 0, NUM_NODES).astype(jnp.int32),
        "pos_dst": jax.random.randint(ks[1], (B,), 0, NUM_NODES).astype(jnp.int32),
        "neg_dst": jax.random.randint(ks[2], (B,), 0, NUM_NODES).astype(jnp.int32),
        "t": jax.random.uniform(ks[3], (B,), dtype=jnp.float32),
        "raw_msg": jax.random.normal(ks[4], (B, MSG_DIM), dtype=jnp.float32),
        "memory": jax.random.normal(ks[5], (NUM_NODES, MEM_DIM), dtype=jnp.float32),
        "w_time": jax.random.normal(ks[6], (1, TIME_DIM), dtype=jnp.float32) * 0.1,
        "b_time": jnp.zeros((TIME_DIM,), dtype=jnp.float32),
        "W_emb": jax.random.normal(ks[7], (MEM_DIM + TIME_DIM, EMB_DIM), dtype=jnp.float32) * 0.05,
        "b_emb": jnp.zeros((EMB_DIM,), dtype=jnp.float32),
        "W1": jax.random.normal(ks[8], (2 * EMB_DIM, EMB_DIM), dtype=jnp.float32) * 0.05,
        "b1": jnp.zeros((EMB_DIM,), dtype=jnp.float32),
        "W2": jax.random.normal(ks[9], (EMB_DIM, 1), dtype=jnp.float32) * 0.05,
        "b2": jnp.zeros((1,), dtype=jnp.float32),
    }


def reference(src, pos_dst, neg_dst, t, raw_msg, memory, w_time, b_time, W_emb, b_emb, W1, b1, W2, b2):
    # TGN.forward with previous_events=None: no memory update on first call.
    # embedding_module(memory[idx], t): time-aware linear embedding.
    t_enc = jnp.cos(t[:, None] @ w_time + b_time)  # time_enc(t).cos(), [B, TIME_DIM]

    def embed(idx):
        mem_rows = jnp.take(memory, idx, axis=0)  # SparseCore gather [B, MEM_DIM]
        return jnp.concatenate([mem_rows, t_enc], axis=-1) @ W_emb + b_emb

    emb_src = embed(src)
    emb_pos_dst = embed(pos_dst)
    emb_neg_dst = embed(neg_dst)

    def link_pred(a, b):
        h = jnp.concatenate([a, b], axis=-1) @ W1 + b1
        h = jax.nn.relu(h)
        return h @ W2 + b2

    pos_out = link_pred(emb_src, emb_pos_dst)
    neg_out = link_pred(emb_src, emb_neg_dst)
    return (pos_out, neg_out)

if __name__ == "__main__":
    import jax
    _d = setup_inputs()
    print(jax.jit(kernel)(*tuple(_d.values())))

</pallas_src>

<mosaic_0001>
#map = affine_map<(d0, d1) -> (0, 0)>
#map1 = affine_map<(d0, d1) -> (0)>
module attributes {stable_mosaic.version = 14 : i64} {
  func.func @_sc_gather_body(%arg0: i32, %arg1: i32, %arg2: memref<100000x128xf32, #tpu.memory_space<hbm>>, %arg3: memref<16384xi32, #tpu.memory_space<hbm>>, %arg4: memref<16384xi32, #tpu.memory_space<hbm>>, %arg5: memref<16384xi32, #tpu.memory_space<hbm>>, %arg6: memref<16384x128xf32, #tpu.memory_space<hbm>>, %arg7: memref<16384x128xf32, #tpu.memory_space<hbm>>, %arg8: memref<16384x128xf32, #tpu.memory_space<hbm>>, %arg9: memref<1536xi32, #tpu.memory_space<vmem>>, %arg10: memref<256x128xf32, #tpu.memory_space<vmem>>, %arg11: memref<256x128xf32, #tpu.memory_space<vmem>>, %arg12: memref<!tpu.dma_semaphore, #tpu.memory_space<semaphore_mem>>, %arg13: memref<!tpu.dma_semaphore, #tpu.memory_space<semaphore_mem>>, %arg14: memref<!tpu.dma_semaphore, #tpu.memory_space<semaphore_mem>>, %arg15: memref<!tpu.dma_semaphore, #tpu.memory_space<semaphore_mem>>) attributes {dimension_semantics = [#tpu.dimension_semantics<core_parallel>, #tpu.dimension_semantics<subcore_parallel>], iteration_bounds = array<i64: 2, 16>, scalar_prefetch = 0 : i64, scratch_operands = 7 : i64, tpu.core_type = #tpu.core_type<sc_vector_subcore>, window_params = [{transform_indices = #map}, {transform_indices = #map1}, {transform_indices = #map1}, {transform_indices = #map1}, {transform_indices = #map}, {transform_indices = #map}, {transform_indices = #map}]} {
    %mul3A = arith.constant 2 : i32
    %mul3A_0 = arith.muli %arg1, %mul3A : i32
    %add3A = arith.addi %mul3A_0, %arg0 : i32
    %mul3A_1 = arith.constant 512 : i32
    %mul3A_2 = arith.muli %add3A, %mul3A_1 : i32
    "tpu.region"() ({
      %run_scoped3A = tpu.sem_alloc : memref<!tpu.dma_semaphore, #tpu.memory_space<semaphore_mem>>
      %dma_start3A_121 = arith.constant 0 : i32
      %dma_start3A_122 = tpu.memref_slice %arg9[%dma_start3A_121] : memref<1536xi32, #tpu.memory_space<vmem>> -> memref<512xi32, #tpu.memory_space<vmem>>
      %dma_start3A_123 = tpu.memref_slice %arg3[%mul3A_2] : memref<16384xi32, #tpu.memory_space<hbm>> -> memref<512xi32, #tpu.memory_space<hbm>>
      %dma_start3A_124 = arith.constant 0 : i32
      %dma_start3A_125 = tpu.memref_slice %arg9[%dma_start3A_124] : memref<1536xi32, #tpu.memory_space<vmem>> -> memref<512xi32, #tpu.memory_space<vmem>>
      %dma_start3A_126 = tpu.memref_slice %arg3[%mul3A_2] : memref<16384xi32, #tpu.memory_space<hbm>> -> memref<512xi32, #tpu.memory_space<hbm>>
      tpu.enqueue_dma source(%dma_start3A_126 : memref<512xi32, #tpu.memory_space<hbm>>) target(%dma_start3A_125 : memref<512xi32, #tpu.memory_space<vmem>>) target_semaphore(%run_scoped3A : memref<!tpu.dma_semaphore, #tpu.memory_space<semaphore_mem>>)
      %dma_wait3A_127 = arith.constant 0 : i32
      %dma_wait3A_128 = tpu.memref_slice %arg9[%dma_wait3A_127] : memref<1536xi32, #tpu.memory_space<vmem>> -> memref<512xi32, #tpu.memory_space<vmem>>
      %dma_wait3A_129 = tpu.memref_slice %arg3[%mul3A_2] : memref<16384xi32, #tpu.memory_space<hbm>> -> memref<512xi32, #tpu.memory_space<hbm>>
      %dma_wait3A_130 = arith.constant 0 : i32
      %dma_wait3A_131 = tpu.memref_slice %arg9[%dma_wait3A_130] : memref<1536xi32, #tpu.memory_space<vmem>> -> memref<512xi32, #tpu.memory_space<vmem>>
      %dma_wait3A_132 = tpu.memref_slice %arg3[%mul3A_2] : memref<16384xi32, #tpu.memory_space<hbm>> -> memref<512xi32, #tpu.memory_space<hbm>>
      tpu.wait_dma2 semaphore(%run_scoped3A : memref<!tpu.dma_semaphore, #tpu.memory_space<semaphore_mem>>) src(%dma_wait3A_132 : memref<512xi32, #tpu.memory_space<hbm>>) dst(%dma_wait3A_131 : memref<512xi32, #tpu.memory_space<vmem>>)
      tpu.yield
    }) : () -> ()
    "tpu.region"() ({
      %run_scoped3A = tpu.sem_alloc : memref<!tpu.dma_semaphore, #tpu.memory_space<semaphore_mem>>
      %dma_start3A_121 = arith.constant 512 : i32
      %dma_start3A_122 = tpu.memref_slice %arg9[%dma_start3A_121] : memref<1536xi32, #tpu.memory_space<vmem>> -> memref<512xi32, #tpu.memory_space<vmem>>
      %dma_start3A_123 = tpu.memref_slice %arg4[%mul3A_2] : memref<16384xi32, #tpu.memory_space<hbm>> -> memref<512xi32, #tpu.memory_space<hbm>>
      %dma_start3A_124 = arith.constant 512 : i32
      %dma_start3A_125 = tpu.memref_slice %arg9[%dma_start3A_124] : memref<1536xi32, #tpu.memory_space<vmem>> -> memref<512xi32, #tpu.memory_space<vmem>>
      %dma_start3A_126 = tpu.memref_slice %arg4[%mul3A_2] : memref<16384xi32, #tpu.memory_space<hbm>> -> memref<512xi32, #tpu.memory_space<hbm>>
      tpu.enqueue_dma source(%dma_start3A_126 : memref<512xi32, #tpu.memory_space<hbm>>) target(%dma_start3A_125 : memref<512xi32, #tpu.memory_space<vmem>>) target_semaphore(%run_scoped3A : memref<!tpu.dma_semaphore, #tpu.memory_space<semaphore_mem>>)
      %dma_wait3A_127 = arith.constant 512 : i32
      %dma_wait3A_128 = tpu.memref_slice %arg9[%dma_wait3A_127] : memref<1536xi32, #tpu.memory_space<vmem>> -> memref<512xi32, #tpu.memory_space<vmem>>
      %dma_wait3A_129 = tpu.memref_slice %arg4[%mul3A_2] : memref<16384xi32, #tpu.memory_space<hbm>> -> memref<512xi32, #tpu.memory_space<hbm>>
      %dma_wait3A_130 = arith.constant 512 : i32
      %dma_wait3A_131 = tpu.memref_slice %arg9[%dma_wait3A_130] : memref<1536xi32, #tpu.memory_space<vmem>> -> memref<512xi32, #tpu.memory_space<vmem>>
      %dma_wait3A_132 = tpu.memref_slice %arg4[%mul3A_2] : memref<16384xi32, #tpu.memory_space<hbm>> -> memref<512xi32, #tpu.memory_space<hbm>>
      tpu.wait_dma2 semaphore(%run_scoped3A : memref<!tpu.dma_semaphore, #tpu.memory_space<semaphore_mem>>) src(%dma_wait3A_132 : memref<512xi32, #tpu.memory_space<hbm>>) dst(%dma_wait3A_131 : memref<512xi32, #tpu.memory_space<vmem>>)
      tpu.yield
    }) : () -> ()
    "tpu.region"() ({
      %run_scoped3A = tpu.sem_alloc : memref<!tpu.dma_semaphore, #tpu.memory_space<semaphore_mem>>
      %dma_start3A_121 = arith.constant 1024 : i32
      %dma_start3A_122 = tpu.memref_slice %arg9[%dma_start3A_121] : memref<1536xi32, #tpu.memory_space<vmem>> -> memref<512xi32, #tpu.memory_space<vmem>>
      %dma_start3A_123 = tpu.memref_slice %arg5[%mul3A_2] : memref<16384xi32, #tpu.memory_space<hbm>> -> memref<512xi32, #tpu.memory_space<hbm>>
      %dma_start3A_124 = arith.constant 1024 : i32
      %dma_start3A_125 = tpu.memref_slice %arg9[%dma_start3A_124] : memref<1536xi32, #tpu.memory_space<vmem>> -> memref<512xi32, #tpu.memory_space<vmem>>
      %dma_start3A_126 = tpu.memref_slice %arg5[%mul3A_2] : memref<16384xi32, #tpu.memory_space<hbm>> -> memref<512xi32, #tpu.memory_space<hbm>>
      tpu.enqueue_dma source(%dma_start3A_126 : memref<512xi32, #tpu.memory_space<hbm>>) target(%dma_start3A_125 : memref<512xi32, #tpu.memory_space<vmem>>) target_semaphore(%run_scoped3A : memref<!tpu.dma_semaphore, #tpu.memory_space<semaphore_mem>>)
      %dma_wait3A_127 = arith.constant 1024 : i32
      %dma_wait3A_128 = tpu.memref_slice %arg9[%dma_wait3A_127] : memref<1536xi32, #tpu.memory_space<vmem>> -> memref<512xi32, #tpu.memory_space<vmem>>
      %dma_wait3A_129 = tpu.memref_slice %arg5[%mul3A_2] : memref<16384xi32, #tpu.memory_space<hbm>> -> memref<512xi32, #tpu.memory_space<hbm>>
      %dma_wait3A_130 = arith.constant 1024 : i32
      %dma_wait3A_131 = tpu.memref_slice %arg9[%dma_wait3A_130] : memref<1536xi32, #tpu.memory_space<vmem>> -> memref<512xi32, #tpu.memory_space<vmem>>
      %dma_wait3A_132 = tpu.memref_slice %arg5[%mul3A_2] : memref<16384xi32, #tpu.memory_space<hbm>> -> memref<512xi32, #tpu.memory_space<hbm>>
      tpu.wait_dma2 semaphore(%run_scoped3A : memref<!tpu.dma_semaphore, #tpu.memory_space<semaphore_mem>>) src(%dma_wait3A_132 : memref<512xi32, #tpu.memory_space<hbm>>) dst(%dma_wait3A_131 : memref<512xi32, #tpu.memory_space<vmem>>)
      tpu.yield
    }) : () -> ()
    %dma_start3A = arith.constant 0 : i32
    %dma_start3A_3 = tpu.memref_slice %arg9[%dma_start3A] : memref<1536xi32, #tpu.memory_space<vmem>> -> memref<256xi32, #tpu.memory_space<vmem>>
    %dma_start3A_4 = arith.constant 0 : i32
    %dma_start3A_5 = arith.constant 0 : i32
    %dma_start3A_6 = tpu.memref_slice %arg2[%dma_start3A_4, %dma_start3A_5] : memref<100000x128xf32, #tpu.memory_space<hbm>> -> memref<100000x128xf32, #tpu.memory_space<hbm>>
    tpu.enqueue_indirect_dma source(%dma_start3A_6 : memref<100000x128xf32, #tpu.memory_space<hbm>>) target(%arg10 : memref<256x128xf32, #tpu.memory_space<vmem>>) offsets(%dma_start3A_3 : memref<256xi32, #tpu.memory_space<vmem>>) semaphore(%arg12 : memref<!tpu.dma_semaphore, #tpu.memory_space<semaphore_mem>>)
    %dma_start3A_7 = arith.constant 256 : i32
    %dma_start3A_8 = tpu.memref_slice %arg9[%dma_start3A_7] : memref<1536xi32, #tpu.memory_space<vmem>> -> memref<256xi32, #tpu.memory_space<vmem>>
    %dma_start3A_9 = arith.constant 0 : i32
    %dma_start3A_10 = arith.constant 0 : i32
    %dma_start3A_11 = tpu.memref_slice %arg2[%dma_start3A_9, %dma_start3A_10] : memref<100000x128xf32, #tpu.memory_space<hbm>> -> memref<100000x128xf32, #tpu.memory_space<hbm>>
    tpu.enqueue_indirect_dma source(%dma_start3A_11 : memref<100000x128xf32, #tpu.memory_space<hbm>>) target(%arg11 : memref<256x128xf32, #tpu.memory_space<vmem>>) offsets(%dma_start3A_8 : memref<256xi32, #tpu.memory_space<vmem>>) semaphore(%arg13 : memref<!tpu.dma_semaphore, #tpu.memory_space<semaphore_mem>>)
    %dma_wait3A = arith.constant 0 : i32
    %dma_wait3A_12 = tpu.memref_slice %arg9[%dma_wait3A] : memref<1536xi32, #tpu.memory_space<vmem>> -> memref<256xi32, #tpu.memory_space<vmem>>
    %dma_wait3A_13 = arith.constant 0 : i32
    %dma_wait3A_14 = arith.constant 0 : i32
    %dma_wait3A_15 = tpu.memref_slice %arg2[%dma_wait3A_13, %dma_wait3A_14] : memref<100000x128xf32, #tpu.memory_space<hbm>> -> memref<100000x128xf32, #tpu.memory_space<hbm>>
    tpu.wait_indirect_dma semaphore(%arg12 : memref<!tpu.dma_semaphore, #tpu.memory_space<semaphore_mem>>) src(%dma_wait3A_15 : memref<100000x128xf32, #tpu.memory_space<hbm>>) dst(%arg10 : memref<256x128xf32, #tpu.memory_space<vmem>>)
    %add3A_16 = arith.constant 0 : i32
    %add3A_17 = arith.addi %mul3A_2, %add3A_16 : i32
    %dma_start3A_18 = arith.constant 0 : i32
    %dma_start3A_19 = tpu.memref_slice %arg6[%add3A_17, %dma_start3A_18] : memref<16384x128xf32, #tpu.memory_space<hbm>> -> memref<256x128xf32, #tpu.memory_space<hbm>>
    %dma_start3A_20 = arith.constant 0 : i32
    %dma_start3A_21 = tpu.memref_slice %arg6[%add3A_17, %dma_start3A_20] : memref<16384x128xf32, #tpu.memory_space<hbm>> -> memref<256x128xf32, #tpu.memory_space<hbm>>
    tpu.enqueue_dma source(%arg10 : memref<256x128xf32, #tpu.memory_space<vmem>>) target(%dma_start3A_21 : memref<256x128xf32, #tpu.memory_space<hbm>>) target_semaphore(%arg14 : memref<!tpu.dma_semaphore, #tpu.memory_space<semaphore_mem>>)
    %dma_wait3A_22 = arith.constant 0 : i32
    %dma_wait3A_23 = tpu.memref_slice %arg6[%add3A_17, %dma_wait3A_22] : memref<16384x128xf32, #tpu.memory_space<hbm>> -> memref<256x128xf32, #tpu.memory_space<hbm>>
    %dma_wait3A_24 = arith.constant 0 : i32
    %dma_wait3A_25 = tpu.memref_slice %arg6[%add3A_17, %dma_wait3A_24] : memref<16384x128xf32, #tpu.memory_space<hbm>> -> memref<256x128xf32, #tpu.memory_space<hbm>>
    tpu.wait_dma2 semaphore(%arg14 : memref<!tpu.dma_semaphore, #tpu.memory_space<semaphore_mem>>) src(%arg10 : memref<256x128xf32, #tpu.memory_space<vmem>>) dst(%dma_wait3A_25 : memref<256x128xf32, #tpu.memory_space<hbm>>)
    %dma_start3A_26 = arith.constant 512 : i32
    %dma_start3A_27 = tpu.memref_slice %arg9[%dma_start3A_26] : memref<1536xi32, #tpu.memory_space<vmem>> -> memref<256xi32, #tpu.memory_space<vmem>>
    %dma_start3A_28 = arith.constant 0 : i32
    %dma_start3A_29 = arith.constant 0 : i32
    %dma_start3A_30 = tpu.memref_slice %arg2[%dma_start3A_28, %dma_start3A_29] : memref<100000x128xf32, #tpu.memory_space<hbm>> -> memref<100000x128xf32, #tpu.memory_space<hbm>>
    tpu.enqueue_indirect_dma source(%dma_start3A_30 : memref<100000x128xf32, #tpu.memory_space<hbm>>) target(%arg10 : memref<256x128xf32, #tpu.memory_space<vmem>>) offsets(%dma_start3A_27 : memref<256xi32, #tpu.memory_space<vmem>>) semaphore(%arg12 : memref<!tpu.dma_semaphore, #tpu.memory_space<semaphore_mem>>)
    %dma_wait3A_31 = arith.constant 256 : i32
    %dma_wait3A_32 = tpu.memref_slice %arg9[%dma_wait3A_31] : memref<1536xi32, #tpu.memory_space<vmem>> -> memref<256xi32, #tpu.memory_space<vmem>>
    %dma_wait3A_33 = arith.constant 0 : i32
    %dma_wait3A_34 = arith.constant 0 : i32
    %dma_wait3A_35 = tpu.memref_slice %arg2[%dma_wait3A_33, %dma_wait3A_34] : memref<100000x128xf32, #tpu.memory_space<hbm>> -> memref<100000x128xf32, #tpu.memory_space<hbm>>
    tpu.wait_indirect_dma semaphore(%arg13 : memref<!tpu.dma_semaphore, #tpu.memory_space<semaphore_mem>>) src(%dma_wait3A_35 : memref<100000x128xf32, #tpu.memory_space<hbm>>) dst(%arg11 : memref<256x128xf32, #tpu.memory_space<vmem>>)
    %add3A_36 = arith.constant 256 : i32
    %add3A_37 = arith.addi %mul3A_2, %add3A_36 : i32
    %dma_start3A_38 = arith.constant 0 : i32
    %dma_start3A_39 = tpu.memref_slice %arg6[%add3A_37, %dma_start3A_38] : memref<16384x128xf32, #tpu.memory_space<hbm>> -> memref<256x128xf32, #tpu.memory_space<hbm>>
    %dma_start3A_40 = arith.constant 0 : i32
    %dma_start3A_41 = tpu.memref_slice %arg6[%add3A_37, %dma_start3A_40] : memref<16384x128xf32, #tpu.memory_space<hbm>> -> memref<256x128xf32, #tpu.memory_space<hbm>>
    tpu.enqueue_dma source(%arg11 : memref<256x128xf32, #tpu.memory_space<vmem>>) target(%dma_start3A_41 : memref<256x128xf32, #tpu.memory_space<hbm>>) target_semaphore(%arg15 : memref<!tpu.dma_semaphore, #tpu.memory_space<semaphore_mem>>)
    %dma_wait3A_42 = arith.constant 0 : i32
    %dma_wait3A_43 = tpu.memref_slice %arg6[%add3A_37, %dma_wait3A_42] : memref<16384x128xf32, #tpu.memory_space<hbm>> -> memref<256x128xf32, #tpu.memory_space<hbm>>
    %dma_wait3A_44 = arith.constant 0 : i32
    %dma_wait3A_45 = tpu.memref_slice %arg6[%add3A_37, %dma_wait3A_44] : memref<16384x128xf32, #tpu.memory_space<hbm>> -> memref<256x128xf32, #tpu.memory_space<hbm>>
    tpu.wait_dma2 semaphore(%arg15 : memref<!tpu.dma_semaphore, #tpu.memory_space<semaphore_mem>>) src(%arg11 : memref<256x128xf32, #tpu.memory_space<vmem>>) dst(%dma_wait3A_45 : memref<256x128xf32, #tpu.memory_space<hbm>>)
    %dma_start3A_46 = arith.constant 768 : i32
    %dma_start3A_47 = tpu.memref_slice %arg9[%dma_start3A_46] : memref<1536xi32, #tpu.memory_space<vmem>> -> memref<256xi32, #tpu.memory_space<vmem>>
    %dma_start3A_48 = arith.constant 0 : i32
    %dma_start3A_49 = arith.constant 0 : i32
    %dma_start3A_50 = tpu.memref_slice %arg2[%dma_start3A_48, %dma_start3A_49] : memref<100000x128xf32, #tpu.memory_space<hbm>> -> memref<100000x128xf32, #tpu.memory_space<hbm>>
    tpu.enqueue_indirect_dma source(%dma_start3A_50 : memref<100000x128xf32, #tpu.memory_space<hbm>>) target(%arg11 : memref<256x128xf32, #tpu.memory_space<vmem>>) offsets(%dma_start3A_47 : memref<256xi32, #tpu.memory_space<vmem>>) semaphore(%arg13 : memref<!tpu.dma_semaphore, #tpu.memory_space<semaphore_mem>>)
    %dma_wait3A_51 = arith.constant 512 : i32
    %dma_wait3A_52 = tpu.memref_slice %arg9[%dma_wait3A_51] : memref<1536xi32, #tpu.memory_space<vmem>> -> memref<256xi32, #tpu.memory_space<vmem>>
    %dma_wait3A_53 = arith.constant 0 : i32
    %dma_wait3A_54 = arith.constant 0 : i32
    %dma_wait3A_55 = tpu.memref_slice %arg2[%dma_wait3A_53, %dma_wait3A_54] : memref<100000x128xf32, #tpu.memory_space<hbm>> -> memref<100000x128xf32, #tpu.memory_space<hbm>>
    tpu.wait_indirect_dma semaphore(%arg12 : memref<!tpu.dma_semaphore, #tpu.memory_space<semaphore_mem>>) src(%dma_wait3A_55 : memref<100000x128xf32, #tpu.memory_space<hbm>>) dst(%arg10 : memref<256x128xf32, #tpu.memory_space<vmem>>)
    %add3A_56 = arith.constant 0 : i32
    %add3A_57 = arith.addi %mul3A_2, %add3A_56 : i32
    %dma_start3A_58 = arith.constant 0 : i32
    %dma_start3A_59 = tpu.memref_slice %arg7[%add3A_57, %dma_start3A_58] : memref<16384x128xf32, #tpu.memory_space<hbm>> -> memref<256x128xf32, #tpu.memory_space<hbm>>
    %dma_start3A_60 = arith.constant 0 : i32
    %dma_start3A_61 = tpu.memref_slice %arg7[%add3A_57, %dma_start3A_60] : memref<16384x128xf32, #tpu.memory_space<hbm>> -> memref<256x128xf32, #tpu.memory_space<hbm>>
    tpu.enqueue_dma source(%arg10 : memref<256x128xf32, #tpu.memory_space<vmem>>) target(%dma_start3A_61 : memref<256x128xf32, #tpu.memory_space<hbm>>) target_semaphore(%arg14 : memref<!tpu.dma_semaphore, #tpu.memory_space<semaphore_mem>>)
    %dma_wait3A_62 = arith.constant 0 : i32
    %dma_wait3A_63 = tpu.memref_slice %arg7[%add3A_57, %dma_wait3A_62] : memref<16384x128xf32, #tpu.memory_space<hbm>> -> memref<256x128xf32, #tpu.memory_space<hbm>>
    %dma_wait3A_64 = arith.constant 0 : i32
    %dma_wait3A_65 = tpu.memref_slice %arg7[%add3A_57, %dma_wait3A_64] : memref<16384x128xf32, #tpu.memory_space<hbm>> -> memref<256x128xf32, #tpu.memory_space<hbm>>
    tpu.wait_dma2 semaphore(%arg14 : memref<!tpu.dma_semaphore, #tpu.memory_space<semaphore_mem>>) src(%arg10 : memref<256x128xf32, #tpu.memory_space<vmem>>) dst(%dma_wait3A_65 : memref<256x128xf32, #tpu.memory_space<hbm>>)
    %dma_start3A_66 = arith.constant 1024 : i32
    %dma_start3A_67 = tpu.memref_slice %arg9[%dma_start3A_66] : memref<1536xi32, #tpu.memory_space<vmem>> -> memref<256xi32, #tpu.memory_space<vmem>>
    %dma_start3A_68 = arith.constant 0 : i32
    %dma_start3A_69 = arith.constant 0 : i32
    %dma_start3A_70 = tpu.memref_slice %arg2[%dma_start3A_68, %dma_start3A_69] : memref<100000x128xf32, #tpu.memory_space<hbm>> -> memref<100000x128xf32, #tpu.memory_space<hbm>>
    tpu.enqueue_indirect_dma source(%dma_start3A_70 : memref<100000x128xf32, #tpu.memory_space<hbm>>) target(%arg10 : memref<256x128xf32, #tpu.memory_space<vmem>>) offsets(%dma_start3A_67 : memref<256xi32, #tpu.memory_space<vmem>>) semaphore(%arg12 : memref<!tpu.dma_semaphore, #tpu.memory_space<semaphore_mem>>)
    %dma_wait3A_71 = arith.constant 768 : i32
    %dma_wait3A_72 = tpu.memref_slice %arg9[%dma_wait3A_71] : memref<1536xi32, #tpu.memory_space<vmem>> -> memref<256xi32, #tpu.memory_space<vmem>>
    %dma_wait3A_73 = arith.constant 0 : i32
    %dma_wait3A_74 = arith.constant 0 : i32
    %dma_wait3A_75 = tpu.memref_slice %arg2[%dma_wait3A_73, %dma_wait3A_74] : memref<100000x128xf32, #tpu.memory_space<hbm>> -> memref<100000x128xf32, #tpu.memory_space<hbm>>
    tpu.wait_indirect_dma semaphore(%arg13 : memref<!tpu.dma_semaphore, #tpu.memory_space<semaphore_mem>>) src(%dma_wait3A_75 : memref<100000x128xf32, #tpu.memory_space<hbm>>) dst(%arg11 : memref<256x128xf32, #tpu.memory_space<vmem>>)
    %add3A_76 = arith.constant 256 : i32
    %add3A_77 = arith.addi %mul3A_2, %add3A_76 : i32
    %dma_start3A_78 = arith.constant 0 : i32
    %dma_start3A_79 = tpu.memref_slice %arg7[%add3A_77, %dma_start3A_78] : memref<16384x128xf32, #tpu.memory_space<hbm>> -> memref<256x128xf32, #tpu.memory_space<hbm>>
    %dma_start3A_80 = arith.constant 0 : i32
    %dma_start3A_81 = tpu.memref_slice %arg7[%add3A_77, %dma_start3A_80] : memref<16384x128xf32, #tpu.memory_space<hbm>> -> memref<256x128xf32, #tpu.memory_space<hbm>>
    tpu.enqueue_dma source(%arg11 : memref<256x128xf32, #tpu.memory_space<vmem>>) target(%dma_start3A_81 : memref<256x128xf32, #tpu.memory_space<hbm>>) target_semaphore(%arg15 : memref<!tpu.dma_semaphore, #tpu.memory_space<semaphore_mem>>)
    %dma_wait3A_82 = arith.constant 0 : i32
    %dma_wait3A_83 = tpu.memref_slice %arg7[%add3A_77, %dma_wait3A_82] : memref<16384x128xf32, #tpu.memory_space<hbm>> -> memref<256x128xf32, #tpu.memory_space<hbm>>
    %dma_wait3A_84 = arith.constant 0 : i32
    %dma_wait3A_85 = tpu.memref_slice %arg7[%add3A_77, %dma_wait3A_84] : memref<16384x128xf32, #tpu.memory_space<hbm>> -> memref<256x128xf32, #tpu.memory_space<hbm>>
    tpu.wait_dma2 semaphore(%arg15 : memref<!tpu.dma_semaphore, #tpu.memory_space<semaphore_mem>>) src(%arg11 : memref<256x128xf32, #tpu.memory_space<vmem>>) dst(%dma_wait3A_85 : memref<256x128xf32, #tpu.memory_space<hbm>>)
    %dma_start3A_86 = arith.constant 1280 : i32
    %dma_start3A_87 = tpu.memref_slice %arg9[%dma_start3A_86] : memref<1536xi32, #tpu.memory_space<vmem>> -> memref<256xi32, #tpu.memory_space<vmem>>
    %dma_start3A_88 = arith.constant 0 : i32
    %dma_start3A_89 = arith.constant 0 : i32
    %dma_start3A_90 = tpu.memref_slice %arg2[%dma_start3A_88, %dma_start3A_89] : memref<100000x128xf32, #tpu.memory_space<hbm>> -> memref<100000x128xf32, #tpu.memory_space<hbm>>
    tpu.enqueue_indirect_dma source(%dma_start3A_90 : memref<100000x128xf32, #tpu.memory_space<hbm>>) target(%arg11 : memref<256x128xf32, #tpu.memory_space<vmem>>) offsets(%dma_start3A_87 : memref<256xi32, #tpu.memory_space<vmem>>) semaphore(%arg13 : memref<!tpu.dma_semaphore, #tpu.memory_space<semaphore_mem>>)
    %dma_wait3A_91 = arith.constant 1024 : i32
    %dma_wait3A_92 = tpu.memref_slice %arg9[%dma_wait3A_91] : memref<1536xi32, #tpu.memory_space<vmem>> -> memref<256xi32, #tpu.memory_space<vmem>>
    %dma_wait3A_93 = arith.constant 0 : i32
    %dma_wait3A_94 = arith.constant 0 : i32
    %dma_wait3A_95 = tpu.memref_slice %arg2[%dma_wait3A_93, %dma_wait3A_94] : memref<100000x128xf32, #tpu.memory_space<hbm>> -> memref<100000x128xf32, #tpu.memory_space<hbm>>
    tpu.wait_indirect_dma semaphore(%arg12 : memref<!tpu.dma_semaphore, #tpu.memory_space<semaphore_mem>>) src(%dma_wait3A_95 : memref<100000x128xf32, #tpu.memory_space<hbm>>) dst(%arg10 : memref<256x128xf32, #tpu.memory_space<vmem>>)
    %add3A_96 = arith.constant 0 : i32
    %add3A_97 = arith.addi %mul3A_2, %add3A_96 : i32
    %dma_start3A_98 = arith.constant 0 : i32
    %dma_start3A_99 = tpu.memref_slice %arg8[%add3A_97, %dma_start3A_98] : memref<16384x128xf32, #tpu.memory_space<hbm>> -> memref<256x128xf32, #tpu.memory_space<hbm>>
    %dma_start3A_100 = arith.constant 0 : i32
    %dma_start3A_101 = tpu.memref_slice %arg8[%add3A_97, %dma_start3A_100] : memref<16384x128xf32, #tpu.memory_space<hbm>> -> memref<256x128xf32, #tpu.memory_space<hbm>>
    tpu.enqueue_dma source(%arg10 : memref<256x128xf32, #tpu.memory_space<vmem>>) target(%dma_start3A_101 : memref<256x128xf32, #tpu.memory_space<hbm>>) target_semaphore(%arg14 : memref<!tpu.dma_semaphore, #tpu.memory_space<semaphore_mem>>)
    %dma_wait3A_102 = arith.constant 1280 : i32
    %dma_wait3A_103 = tpu.memref_slice %arg9[%dma_wait3A_102] : memref<1536xi32, #tpu.memory_space<vmem>> -> memref<256xi32, #tpu.memory_space<vmem>>
    %dma_wait3A_104 = arith.constant 0 : i32
    %dma_wait3A_105 = arith.constant 0 : i32
    %dma_wait3A_106 = tpu.memref_slice %arg2[%dma_wait3A_104, %dma_wait3A_105] : memref<100000x128xf32, #tpu.memory_space<hbm>> -> memref<100000x128xf32, #tpu.memory_space<hbm>>
    tpu.wait_indirect_dma semaphore(%arg13 : memref<!tpu.dma_semaphore, #tpu.memory_space<semaphore_mem>>) src(%dma_wait3A_106 : memref<100000x128xf32, #tpu.memory_space<hbm>>) dst(%arg11 : memref<256x128xf32, #tpu.memory_space<vmem>>)
    %add3A_107 = arith.constant 256 : i32
    %add3A_108 = arith.addi %mul3A_2, %add3A_107 : i32
    %dma_start3A_109 = arith.constant 0 : i32
    %dma_start3A_110 = tpu.memref_slice %arg8[%add3A_108, %dma_start3A_109] : memref<16384x128xf32, #tpu.memory_space<hbm>> -> memref<256x128xf32, #tpu.memory_space<hbm>>
    %dma_start3A_111 = arith.constant 0 : i32
    %dma_start3A_112 = tpu.memref_slice %arg8[%add3A_108, %dma_start3A_111] : memref<16384x128xf32, #tpu.memory_space<hbm>> -> memref<256x128xf32, #tpu.memory_space<hbm>>
    tpu.enqueue_dma source(%arg11 : memref<256x128xf32, #tpu.memory_space<vmem>>) target(%dma_start3A_112 : memref<256x128xf32, #tpu.memory_space<hbm>>) target_semaphore(%arg15 : memref<!tpu.dma_semaphore, #tpu.memory_space<semaphore_mem>>)
    %dma_wait3A_113 = arith.constant 0 : i32
    %dma_wait3A_114 = tpu.memref_slice %arg8[%add3A_97, %dma_wait3A_113] : memref<16384x128xf32, #tpu.memory_space<hbm>> -> memref<256x128xf32, #tpu.memory_space<hbm>>
    %dma_wait3A_115 = arith.constant 0 : i32
    %dma_wait3A_116 = tpu.memref_slice %arg8[%add3A_97, %dma_wait3A_115] : memref<16384x128xf32, #tpu.memory_space<hbm>> -> memref<256x128xf32, #tpu.memory_space<hbm>>
    tpu.wait_dma2 semaphore(%arg14 : memref<!tpu.dma_semaphore, #tpu.memory_space<semaphore_mem>>) src(%arg10 : memref<256x128xf32, #tpu.memory_space<vmem>>) dst(%dma_wait3A_116 : memref<256x128xf32, #tpu.memory_space<hbm>>)
    %dma_wait3A_117 = arith.constant 0 : i32
    %dma_wait3A_118 = tpu.memref_slice %arg8[%add3A_108, %dma_wait3A_117] : memref<16384x128xf32, #tpu.memory_space<hbm>> -> memref<256x128xf32, #tpu.memory_space<hbm>>
    %dma_wait3A_119 = arith.constant 0 : i32
    %dma_wait3A_120 = tpu.memref_slice %arg8[%add3A_108, %dma_wait3A_119] : memref<16384x128xf32, #tpu.memory_space<hbm>> -> memref<256x128xf32, #tpu.memory_space<hbm>>
    tpu.wait_dma2 semaphore(%arg15 : memref<!tpu.dma_semaphore, #tpu.memory_space<semaphore_mem>>) src(%arg11 : memref<256x128xf32, #tpu.memory_space<vmem>>) dst(%dma_wait3A_120 : memref<256x128xf32, #tpu.memory_space<hbm>>)
    return
  }
}

module attributes {stable_mosaic.version = 14 : i64} {
  func.func @_tc_body(%arg0: i32, %arg1: memref<2048xf32, #tpu.memory_space<vmem>>, %arg2: memref<2048x128xf32, #tpu.memory_space<vmem>>, %arg3: memref<2048x128xf32, #tpu.memory_space<vmem>>, %arg4: memref<2048x128xf32, #tpu.memory_space<vmem>>, %arg5: memref<1x16xf32, #tpu.memory_space<vmem>>, %arg6: memref<16xf32, #tpu.memory_space<vmem>>, %arg7: memref<144x128xf32, #tpu.memory_space<vmem>>, %arg8: memref<128xf32, #tpu.memory_space<vmem>>, %arg9: memref<256x128xf32, #tpu.memory_space<vmem>>, %arg10: memref<128xf32, #tpu.memory_space<vmem>>, %arg11: memref<128x1xf32, #tpu.memory_space<vmem>>, %arg12: memref<1xf32, #tpu.memory_space<vmem>>, %arg13: memref<2048x1xf32, #tpu.memory_space<vmem>>, %arg14: memref<2048x1xf32, #tpu.memory_space<vmem>>) attributes {dimension_semantics = [#tpu.dimension_semantics<arbitrary>], iteration_bounds = array<i64: 8>, scalar_prefetch = 0 : i64, scratch_operands = 0 : i64, tpu.core_type = #tpu.core_type<tc>, window_params = [{transform_indices = @transform_0, window_bounds = array<i64: 2048>}, {transform_indices = @transform_1, window_bounds = array<i64: 2048, 128>}, {transform_indices = @transform_2, window_bounds = array<i64: 2048, 128>}, {transform_indices = @transform_3, window_bounds = array<i64: 2048, 128>}, {pipeline_mode = #tpu.pipeline_mode<synchronous>, transform_indices = @transform_4, window_bounds = array<i64: 1, 16>}, {pipeline_mode = #tpu.pipeline_mode<synchronous>, transform_indices = @transform_5, window_bounds = array<i64: 16>}, {pipeline_mode = #tpu.pipeline_mode<synchronous>, transform_indices = @transform_6, window_bounds = array<i64: 144, 128>}, {pipeline_mode = #tpu.pipeline_mode<synchronous>, transform_indices = @transform_7, window_bounds = array<i64: 128>}, {pipeline_mode = #tpu.pipeline_mode<synchronous>, transform_indices = @transform_8, window_bounds = array<i64: 256, 128>}, {pipeline_mode = #tpu.pipeline_mode<synchronous>, transform_indices = @transform_9, window_bounds = array<i64: 128>}, {pipeline_mode = #tpu.pipeline_mode<synchronous>, transform_indices = @transform_10, window_bounds = array<i64: 128, 1>}, {pipeline_mode = #tpu.pipeline_mode<synchronous>, transform_indices = @transform_11, window_bounds = array<i64: 1>}, {transform_indices = @transform_12, window_bounds = array<i64: 2048, 1>}, {transform_indices = @transform_13, window_bounds = array<i64: 2048, 1>}]} {
    %get3A = arith.constant 0 : index
    %get3A_0 = arith.constant 0 : index
    %get3A_1 = vector.load %arg7[%get3A, %get3A_0] : memref<144x128xf32, #tpu.memory_space<vmem>>, vector<128x128xf32>
    %get3A_2 = arith.constant 128 : index
    %get3A_3 = arith.constant 0 : index
    %get3A_4 = vector.load %arg7[%get3A_2, %get3A_3] : memref<144x128xf32, #tpu.memory_space<vmem>>, vector<16x128xf32>
    %get3A_5 = arith.constant 0 : index
    %get3A_6 = arith.constant 0 : index
    %get3A_7 = vector.load %arg9[%get3A_5, %get3A_6] : memref<256x128xf32, #tpu.memory_space<vmem>>, vector<128x128xf32>
    %get3A_8 = arith.constant 128 : index
    %get3A_9 = arith.constant 0 : index
    %get3A_10 = vector.load %arg9[%get3A_8, %get3A_9] : memref<256x128xf32, #tpu.memory_space<vmem>>, vector<128x128xf32>
    %dot_general3A = arith.constant dense<0.000000e+00> : vector<128x128xf32>
    %dot_general3A_11 = tpu.matmul %get3A_1, %get3A_7, %dot_general3A {dimension_numbers = #tpu.dot_dimension_numbers<[1], [0], [0], [1], [0, 0, 1, 1], [], []>, transpose_lhs_hint = false} : vector<128x128xf32>, vector<128x128xf32>, vector<128x128xf32> -> vector<128x128xf32>
    %dot_general3A_12 = arith.constant dense<0.000000e+00> : vector<128x128xf32>
    %dot_general3A_13 = tpu.matmul %get3A_1, %get3A_10, %dot_general3A_12 {dimension_numbers = #tpu.dot_dimension_numbers<[1], [0], [0], [1], [0, 0, 1, 1], [], []>, transpose_lhs_hint = false} : vector<128x128xf32>, vector<128x128xf32>, vector<128x128xf32> -> vector<128x128xf32>
    %add3A = arith.addf %get3A_7, %get3A_10 : vector<128x128xf32>
    %dot_general3A_14 = arith.constant dense<0.000000e+00> : vector<16x128xf32>
    %dot_general3A_15 = tpu.matmul %get3A_4, %add3A, %dot_general3A_14 {dimension_numbers = #tpu.dot_dimension_numbers<[1], [0], [0], [1], [0, 0, 1, 1], [], []>, transpose_lhs_hint = false} : vector<16x128xf32>, vector<128x128xf32>, vector<16x128xf32> -> vector<16x128xf32>
    %get3A_16 = arith.constant 0 : index
    %get3A_17 = vector.load %arg8[%get3A_16] : memref<128xf32, #tpu.memory_space<vmem>>, vector<128xf32>
    %reshape3A = vector.shape_cast %get3A_17 : vector<128xf32> to vector<1x128xf32>
    %dot_general3A_18 = arith.constant dense<0.000000e+00> : vector<1x128xf32>
    %dot_general3A_19 = tpu.matmul %reshape3A, %add3A, %dot_general3A_18 {dimension_numbers = #tpu.dot_dimension_numbers<[1], [0], [0], [1], [0, 0, 1, 1], [], []>, transpose_lhs_hint = false} : vector<1x128xf32>, vector<128x128xf32>, vector<1x128xf32> -> vector<1x128xf32>
    %get3A_20 = arith.constant 0 : index
    %get3A_21 = vector.load %arg10[%get3A_20] : memref<128xf32, #tpu.memory_space<vmem>>, vector<128xf32>
    %reshape3A_22 = vector.shape_cast %get3A_21 : vector<128xf32> to vector<1x128xf32>
    %add3A_23 = arith.addf %dot_general3A_19, %reshape3A_22 : vector<1x128xf32>
    %get3A_24 = arith.constant 0 : index
    %get3A_25 = vector.load %arg1[%get3A_24] : memref<2048xf32, #tpu.memory_space<vmem>>, vector<2048xf32>
    %broadcast_in_dim3A = vector.shape_cast %get3A_25 : vector<2048xf32> to vector<2048x1xf32>
    %get3A_26 = arith.constant 0 : index
    %get3A_27 = arith.constant 0 : index
    %get3A_28 = vector.load %arg5[%get3A_26, %get3A_27] : memref<1x16xf32, #tpu.memory_space<vmem>>, vector<1x16xf32>
    %mul3A = vector.broadcast %broadcast_in_dim3A : vector<2048x1xf32> to vector<2048x16xf32>
    %mul3A_29 = vector.broadcast %get3A_28 : vector<1x16xf32> to vector<2048x16xf32>
    %mul3A_30 = arith.mulf %mul3A, %mul3A_29 : vector<2048x16xf32>
    %get3A_31 = arith.constant 0 : index
    %get3A_32 = vector.load %arg6[%get3A_31] : memref<16xf32, #tpu.memory_space<vmem>>, vector<16xf32>
    %broadcast_in_dim3A_33 = vector.shape_cast %get3A_32 : vector<16xf32> to vector<1x16xf32>
    %add3A_34 = vector.broadcast %broadcast_in_dim3A_33 : vector<1x16xf32> to vector<2048x16xf32>
    %add3A_35 = arith.addf %mul3A_30, %add3A_34 : vector<2048x16xf32>
    %mul3A_36 = arith.constant 0.636619746 : f32
    %mul3A_37 = vector.broadcast %mul3A_36 : f32 to vector<2048x16xf32>
    %mul3A_38 = arith.mulf %add3A_35, %mul3A_37 : vector<2048x16xf32>
    %round3A = math.roundeven %mul3A_38 : vector<2048x16xf32>
    %mul3A_39 = arith.constant 1.57079637 : f32
    %mul3A_40 = vector.broadcast %mul3A_39 : f32 to vector<2048x16xf32>
    %mul3A_41 = arith.mulf %round3A, %mul3A_40 : vector<2048x16xf32>
    %sub3A = arith.subf %add3A_35, %mul3A_41 : vector<2048x16xf32>
    %mul3A_42 = arith.constant 4.37113883E-8 : f32
    %mul3A_43 = vector.broadcast %mul3A_42 : f32 to vector<2048x16xf32>
    %mul3A_44 = arith.mulf %round3A, %mul3A_43 : vector<2048x16xf32>
    %add3A_45 = arith.addf %sub3A, %mul3A_44 : vector<2048x16xf32>
    %mul3A_46 = arith.mulf %add3A_45, %add3A_45 : vector<2048x16xf32>
    %mul3A_47 = arith.constant 2.75255616E-6 : f32
    %mul3A_48 = vector.broadcast %mul3A_47 : f32 to vector<2048x16xf32>
    %mul3A_49 = arith.mulf %mul3A_46, %mul3A_48 : vector<2048x16xf32>
    %add3A_50 = arith.constant -1.98408743E-4 : f32
    %add3A_51 = vector.broadcast %add3A_50 : f32 to vector<2048x16xf32>
    %add3A_52 = arith.addf %add3A_51, %mul3A_49 : vector<2048x16xf32>
    %mul3A_53 = arith.mulf %mul3A_46, %add3A_52 : vector<2048x16xf32>
    %add3A_54 = arith.constant 0.00833333097 : f32
    %add3A_55 = vector.broadcast %add3A_54 : f32 to vector<2048x16xf32>
    %add3A_56 = arith.addf %add3A_55, %mul3A_53 : vector<2048x16xf32>
    %mul3A_57 = arith.mulf %mul3A_46, %add3A_56 : vector<2048x16xf32>
    %add3A_58 = arith.constant -0.166666672 : f32
    %add3A_59 = vector.broadcast %add3A_58 : f32 to vector<2048x16xf32>
    %add3A_60 = arith.addf %add3A_59, %mul3A_57 : vector<2048x16xf32>
    %mul3A_61 = arith.mulf %mul3A_46, %add3A_60 : vector<2048x16xf32>
    %add3A_62 = arith.constant 1.000000e+00 : f32
    %add3A_63 = vector.broadcast %add3A_62 : f32 to vector<2048x16xf32>
    %add3A_64 = arith.addf %add3A_63, %mul3A_61 : vector<2048x16xf32>
    %mul3A_65 = arith.mulf %add3A_45, %add3A_64 : vector<2048x16xf32>
    %mul3A_66 = arith.constant 2.47604949E-5 : f32
    %mul3A_67 = vector.broadcast %mul3A_66 : f32 to vector<2048x16xf32>
    %mul3A_68 = arith.mulf %mul3A_46, %mul3A_67 : vector<2048x16xf32>
    %add3A_69 = arith.constant -0.00138883782 : f32
    %add3A_70 = vector.broadcast %add3A_69 : f32 to vector<2048x16xf32>
    %add3A_71 = arith.addf %add3A_70, %mul3A_68 : vector<2048x16xf32>
    %mul3A_72 = arith.mulf %mul3A_46, %add3A_71 : vector<2048x16xf32>
    %add3A_73 = arith.constant 0.0416666381 : f32
    %add3A_74 = vector.broadcast %add3A_73 : f32 to vector<2048x16xf32>
    %add3A_75 = arith.addf %add3A_74, %mul3A_72 : vector<2048x16xf32>
    %mul3A_76 = arith.mulf %mul3A_46, %add3A_75 : vector<2048x16xf32>
    %add3A_77 = arith.constant -5.000000e-01 : f32
    %add3A_78 = vector.broadcast %add3A_77 : f32 to vector<2048x16xf32>
    %add3A_79 = arith.addf %add3A_78, %mul3A_76 : vector<2048x16xf32>
    %mul3A_80 = arith.mulf %mul3A_46, %add3A_79 : vector<2048x16xf32>
    %add3A_81 = arith.constant 1.000000e+00 : f32
    %add3A_82 = vector.broadcast %add3A_81 : f32 to vector<2048x16xf32>
    %add3A_83 = arith.addf %add3A_82, %mul3A_80 : vector<2048x16xf32>
    %convert_element_type3A = arith.fptosi %round3A : vector<2048x16xf32> to vector<2048x16xi32>
    %and3A = arith.constant 3 : i32
    %and3A_84 = vector.broadcast %and3A : i32 to vector<2048x16xi32>
    %and3A_85 = arith.andi %convert_element_type3A, %and3A_84 : vector<2048x16xi32>
    %and3A_86 = arith.constant 1 : i32
    %and3A_87 = vector.broadcast %and3A_86 : i32 to vector<2048x16xi32>
    %and3A_88 = arith.andi %and3A_85, %and3A_87 : vector<2048x16xi32>
    %eq3A = arith.constant 1 : i32
    %eq3A_89 = vector.broadcast %eq3A : i32 to vector<2048x16xi32>
    %eq3A_90 = arith.cmpi eq, %and3A_88, %eq3A_89 : vector<2048x16xi32>
    %select_n3A = arith.select %eq3A_90, %mul3A_65, %add3A_83 : vector<2048x16xi1>, vector<2048x16xf32>
    %eq3A_91 = arith.constant 1 : i32
    %eq3A_92 = vector.broadcast %eq3A_91 : i32 to vector<2048x16xi32>
    %eq3A_93 = arith.cmpi eq, %and3A_85, %eq3A_92 : vector<2048x16xi32>
    %eq3A_94 = arith.constant 2 : i32
    %eq3A_95 = vector.broadcast %eq3A_94 : i32 to vector<2048x16xi32>
    %eq3A_96 = arith.cmpi eq, %and3A_85, %eq3A_95 : vector<2048x16xi32>
    %or3A = arith.ori %eq3A_93, %eq3A_96 : vector<2048x16xi1>
    %neg3A = arith.constant 0.000000e+00 : f32
    %neg3A_97 = vector.broadcast %neg3A : f32 to vector<2048x16xf32>
    %neg3A_98 = arith.subf %neg3A_97, %select_n3A : vector<2048x16xf32>
    %select_n3A_99 = arith.select %or3A, %neg3A_98, %select_n3A : vector<2048x16xi1>, vector<2048x16xf32>
    %dot_general3A_100 = arith.constant dense<0.000000e+00> : vector<2048x128xf32>
    %dot_general3A_101 = tpu.matmul %select_n3A_99, %dot_general3A_15, %dot_general3A_100 {dimension_numbers = #tpu.dot_dimension_numbers<[1], [0], [0], [1], [0, 0, 1, 1], [], []>, transpose_lhs_hint = false} : vector<2048x16xf32>, vector<16x128xf32>, vector<2048x128xf32> -> vector<2048x128xf32>
    %add3A_102 = vector.broadcast %add3A_23 : vector<1x128xf32> to vector<2048x128xf32>
    %add3A_103 = arith.addf %dot_general3A_101, %add3A_102 : vector<2048x128xf32>
    %get3A_104 = arith.constant 0 : index
    %get3A_105 = arith.constant 0 : index
    %get3A_106 = vector.load %arg2[%get3A_104, %get3A_105] : memref<2048x128xf32, #tpu.memory_space<vmem>>, vector<2048x128xf32>
    %dot_general3A_107 = arith.constant dense<0.000000e+00> : vector<2048x128xf32>
    %dot_general3A_108 = tpu.matmul %get3A_106, %dot_general3A_11, %dot_general3A_107 {dimension_numbers = #tpu.dot_dimension_numbers<[1], [0], [0], [1], [0, 0, 1, 1], [], []>, transpose_lhs_hint = false} : vector<2048x128xf32>, vector<128x128xf32>, vector<2048x128xf32> -> vector<2048x128xf32>
    %get3A_109 = arith.constant 0 : index
    %get3A_110 = arith.constant 0 : index
    %get3A_111 = vector.load %arg3[%get3A_109, %get3A_110] : memref<2048x128xf32, #tpu.memory_space<vmem>>, vector<2048x128xf32>
    %dot_general3A_112 = arith.constant dense<0.000000e+00> : vector<2048x128xf32>
    %dot_general3A_113 = tpu.matmul %get3A_111, %dot_general3A_13, %dot_general3A_112 {dimension_numbers = #tpu.dot_dimension_numbers<[1], [0], [0], [1], [0, 0, 1, 1], [], []>, transpose_lhs_hint = false} : vector<2048x128xf32>, vector<128x128xf32>, vector<2048x128xf32> -> vector<2048x128xf32>
    %add3A_114 = arith.addf %dot_general3A_108, %dot_general3A_113 : vector<2048x128xf32>
    %add3A_115 = arith.addf %add3A_114, %add3A_103 : vector<2048x128xf32>
    %max3A = arith.constant 0.000000e+00 : f32
    %max3A_116 = vector.broadcast %max3A : f32 to vector<2048x128xf32>
    %max3A_117 = arith.maximumf %add3A_115, %max3A_116 : vector<2048x128xf32>
    %get3A_118 = arith.constant 0 : index
    %get3A_119 = arith.constant 0 : index
    %get3A_120 = vector.load %arg4[%get3A_118, %get3A_119] : memref<2048x128xf32, #tpu.memory_space<vmem>>, vector<2048x128xf32>
    %dot_general3A_121 = arith.constant dense<0.000000e+00> : vector<2048x128xf32>
    %dot_general3A_122 = tpu.matmul %get3A_120, %dot_general3A_13, %dot_general3A_121 {dimension_numbers = #tpu.dot_dimension_numbers<[1], [0], [0], [1], [0, 0, 1, 1], [], []>, transpose_lhs_hint = false} : vector<2048x128xf32>, vector<128x128xf32>, vector<2048x128xf32> -> vector<2048x128xf32>
    %add3A_123 = arith.addf %dot_general3A_108, %dot_general3A_122 : vector<2048x128xf32>
    %add3A_124 = arith.addf %add3A_123, %add3A_103 : vector<2048x128xf32>
    %max3A_125 = arith.constant 0.000000e+00 : f32
    %max3A_126 = vector.broadcast %max3A_125 : f32 to vector<2048x128xf32>
    %max3A_127 = arith.maximumf %add3A_124, %max3A_126 : vector<2048x128xf32>
    %get3A_128 = arith.constant 0 : index
    %get3A_129 = arith.constant 0 : index
    %get3A_130 = vector.load %arg11[%get3A_128, %get3A_129] : memref<128x1xf32, #tpu.memory_space<vmem>>, vector<128x1xf32>
    %get3A_131 = arith.constant 0 : index
    %get3A_132 = vector.load %arg12[%get3A_131] : memref<1xf32, #tpu.memory_space<vmem>>, vector<1xf32>
    %dot_general3A_133 = arith.constant dense<0.000000e+00> : vector<2048x1xf32>
    %dot_general3A_134 = tpu.matmul %max3A_117, %get3A_130, %dot_general3A_133 {dimension_numbers = #tpu.dot_dimension_numbers<[1], [0], [0], [1], [0, 0, 1, 1], [], []>, transpose_lhs_hint = false} : vector<2048x128xf32>, vector<128x1xf32>, vector<2048x1xf32> -> vector<2048x1xf32>
    %broadcast_in_dim3A_135 = vector.shape_cast %get3A_132 : vector<1xf32> to vector<1x1xf32>
    %add3A_136 = vector.broadcast %broadcast_in_dim3A_135 : vector<1x1xf32> to vector<2048x1xf32>
    %add3A_137 = arith.addf %dot_general3A_134, %add3A_136 : vector<2048x1xf32>
    %swap3A = arith.constant 0 : index
    %swap3A_138 = arith.constant 0 : index
    %swap3A_139 = vector.load %arg13[%swap3A, %swap3A_138] : memref<2048x1xf32, #tpu.memory_space<vmem>>, vector<2048x1xf32>
    tpu.vector_store %arg13[%swap3A, %swap3A_138], %add3A_137 {strides = array<i32>} : memref<2048x1xf32, #tpu.memory_space<vmem>>, vector<2048x1xf32>,
    %dot_general3A_140 = arith.constant dense<0.000000e+00> : vector<2048x1xf32>
    %dot_general3A_141 = tpu.matmul %max3A_127, %get3A_130, %dot_general3A_140 {dimension_numbers = #tpu.dot_dimension_numbers<[1], [0], [0], [1], [0, 0, 1, 1], [], []>, transpose_lhs_hint = false} : vector<2048x128xf32>, vector<128x1xf32>, vector<2048x1xf32> -> vector<2048x1xf32>
    %broadcast_in_dim3A_142 = vector.shape_cast %get3A_132 : vector<1xf32> to vector<1x1xf32>
    %add3A_143 = vector.broadcast %broadcast_in_dim3A_142 : vector<1x1xf32> to vector<2048x1xf32>
    %add3A_144 = arith.addf %dot_general3A_141, %add3A_143 : vector<2048x1xf32>
    %swap3A_145 = arith.constant 0 : index
    %swap3A_146 = arith.constant 0 : index
    %swap3A_147 = vector.load %arg14[%swap3A_145, %swap3A_146] : memref<2048x1xf32, #tpu.memory_space<vmem>>, vector<2048x1xf32>
    tpu.vector_store %arg14[%swap3A_145, %swap3A_146], %add3A_144 {strides = array<i32>} : memref<2048x1xf32, #tpu.memory_space<vmem>>, vector<2048x1xf32>,
    return
  }
  func.func @transform_0(%arg0: i32) -> i32 {
    %c0_i32 = arith.constant 0 : i32
    return %arg0 : i32
  }
  func.func @transform_1(%arg0: i32) -> (i32, i32) {
    %c0_i32 = arith.constant 0 : i32
    %c0_i32_0 = arith.constant 0 : i32
    return %arg0, %c0_i32 : i32, i32
  }
  func.func @transform_2(%arg0: i32) -> (i32, i32) {
    %c0_i32 = arith.constant 0 : i32
    %c0_i32_0 = arith.constant 0 : i32
    return %arg0, %c0_i32 : i32, i32
  }
  func.func @transform_3(%arg0: i32) -> (i32, i32) {
    %c0_i32 = arith.constant 0 : i32
    %c0_i32_0 = arith.constant 0 : i32
    return %arg0, %c0_i32 : i32, i32
  }
  func.func @transform_4(%arg0: i32) -> (i32, i32) {
    %c0_i32 = arith.constant 0 : i32
    %c0_i32_0 = arith.constant 0 : i32
    %c0_i32_1 = arith.constant 0 : i32
    return %c0_i32, %c0_i32_0 : i32, i32
  }
  func.func @transform_5(%arg0: i32) -> i32 {
    %c0_i32 = arith.constant 0 : i32
    %c0_i32_0 = arith.constant 0 : i32
    return %c0_i32 : i32
  }
  func.func @transform_6(%arg0: i32) -> (i32, i32) {
    %c0_i32 = arith.constant 0 : i32
    %c0_i32_0 = arith.constant 0 : i32
    %c0_i32_1 = arith.constant 0 : i32
    return %c0_i32, %c0_i32_0 : i32, i32
  }
  func.func @transform_7(%arg0: i32) -> i32 {
    %c0_i32 = arith.constant 0 : i32
    %c0_i32_0 = arith.constant 0 : i32
    return %c0_i32 : i32
  }
  func.func @transform_8(%arg0: i32) -> (i32, i32) {
    %c0_i32 = arith.constant 0 : i32
    %c0_i32_0 = arith.constant 0 : i32
    %c0_i32_1 = arith.constant 0 : i32
    return %c0_i32, %c0_i32_0 : i32, i32
  }
  func.func @transform_9(%arg0: i32) -> i32 {
    %c0_i32 = arith.constant 0 : i32
    %c0_i32_0 = arith.constant 0 : i32
    return %c0_i32 : i32
  }
  func.func @transform_10(%arg0: i32) -> (i32, i32) {
    %c0_i32 = arith.constant 0 : i32
    %c0_i32_0 = arith.constant 0 : i32
    %c0_i32_1 = arith.constant 0 : i32
    return %c0_i32, %c0_i32_0 : i32, i32
  }
  func.func @transform_11(%arg0: i32) -> i32 {
    %c0_i32 = arith.constant 0 : i32
    %c0_i32_0 = arith.constant 0 : i32
    return %c0_i32 : i32
  }
  func.func @transform_12(%arg0: i32) -> (i32, i32) {
    %c0_i32 = arith.constant 0 : i32
    %c0_i32_0 = arith.constant 0 : i32
    return %arg0, %c0_i32 : i32, i32
  }
  func.func @transform_13(%arg0: i32) -> (i32, i32) {
    %c0_i32 = arith.constant 0 : i32
    %c0_i32_0 = arith.constant 0 : i32
    return %arg0, %c0_i32 : i32, i32
  }
}

</mosaic_0001>

<sc_bundles>
// kernel: kernel.4.cloned.1.call-start
scs
__scs_entry_jumppad:
0x0: {  	(pc) =	sbr.rel $0x88, $3  }
0x1: {  	(tag) =	ssettag $0x0;
	lr =	simm.s32 $0x1  }
0x2: {  	[smem:$0x3F94] =	sst lr;
	_ =	strace $0xD0000000  }
0x3: {  	_ = 	snop  }
0x4: {  	_ = 	snop  }
0x5: {  	_ = 	snop  }
0x6: {  	_ = 	snop  }
0x7: {  	_ = 	snop  }
__scs_overlays_trampoline_lowered:
0x8: {  	[smem:$0x3FA3] =	sst s0  }
0x9: {  	[smem:$0x3FA4] =	sst s1  }
0xa: {  	[smem:$0x3FA5] =	sst s2  }
0xb: {  	[smem:$0x3FA6] =	sst s3  }
0xc: {  	[smem:$0x3FA7] =	sst s4  }
0xd: {  	[smem:$0x3FA8] =	sst s5  }
0xe: {  	[smem:$0x3FA9] =	sst s6  }
0xf: {  	[smem:$0x3FAA] =	sst s7  }
0x10: {  	[smem:$0x3FAB] =	sst s8  }
0x11: {  	[smem:$0x3FAC] =	sst s9;
	s0 =	simm.s32 @!p0 $0x0  }
0x12: {  	s1 =	sld [smem:$0x3F92];
	s0 =	simm.s32 @p0 $0x1  }
0x13: {  	[smem:$0x3FAD] =	sst s0;
	s0 =	simm.s32 @!p1 $0x0  }
0x14: {  	s2 =	sld [smem:$0x3F91];
	s0 =	simm.s32 @p1 $0x1  }
0x15: {  	[smem:$0x3FAE] =	sst s0;
	s0 =	simm.s32 @!p2 $0x0  }
0x16: {  	s3 =	sld [smem:$0x3FDB];
	s0 =	simm.s32 @p2 $0x1  }
0x17: {  	s4 =	simm.s32 $0x1BF5;
	[smem:$0x3FB0] =	sst s0  }
0x18: {  	s0 =	sld [smem:$0x3F93];
	_ =	swait.ge [sflag:s4], $0x0  }
0x19: {  	s7 =	sld [smem:$0x3F94]  }
0x1a: {  	s8 =	sadd.s32 $0xFFFFE003, lr  }
0x1b: {  	s9 =	sadd.s32 $0xFFFFFEF7, lr;
	s5 =	simm.s32 $0xFFFFFFFF;
	p2 =	slt.u32 s8, $0xFFFFF086  }
0x1c: {  	p1 =	slt.u32 s9, $0xF7A;
	s5 =	simm.s32 @!p2 $0x0  }
0x1d: {  	s5 =	simm.s32 @p1 $0x1;
	p0 =	seq.s32 s7, s2  }
0x1e: {  	s7 =	smul.u32 @!p0 $0xF7A, s2;
	p2 =	seq.s32 @!p0 s5, $0x0  }
0x1f: {  	s9 =	smul.u32 $0xF7A, s1;
	s8 =	simm.s32 @!p0 $0x1BF5;
	p2 =	por !p2, p0  }
0x20: {  	[sflag:s8] =	ssyncset.s32 @!p0 $0xFFFFF086;
	s6 =	sadd.s32 @!p0 s3, s7;
	s7 =	simm.s32 @!p0 $0x108  }
0x21: {  	s3 =	sadd.s32 s3, s9;
	s6 =	sadd.s32 @!p0 $0x88, s6;
	s7 =	simm.s32 @p2 $0x1082  }
0x22: {  	[simem:s7], [sflag:s8] =	dma.local @!p0 [hbm:s6], $0xF7A  }
0x23: {  	s9 =	sor.u32 $0xD0000000, s2;
	s6 =	simm.s32 $0x108;
	_ =	swait.ge @!p0 [sflag:s8], $0x0  }
0x24: {  	s3 =	sadd.s32 $0x88, s3;
	s6 =	simm.s32 @!p1 $0x1082;
	[sflag:s4] =	ssyncset.s32 $0xFFFFF086  }
0x25: {  	[simem:s6], [sflag:s4] =	dma.local [hbm:s3], $0xF7A  }
0x26: {  	[smem:$0x3F94] =	sst s1;
	(tag) =	ssettag s2;
	_ =	strace s9  }
0x27: {  	s1 =	sld [smem:$0x3FA4]  }
0x28: {  	s2 =	sld [smem:$0x3FA5]  }
0x29: {  	s4 =	sld [smem:$0x3FA7]  }
0x2a: {  	p0 =	seq.s32 s5, $0x0;
	s5 =	sld [smem:$0x3FA8]  }
0x2b: {  	s6 =	sld [smem:$0x3FA9]  }
0x2c: {  	s7 =	sld [smem:$0x3FAA]  }
0x2d: {  	s3 =	simm.s32 $0x108;
	s8 =	sld [smem:$0x3FAB]  }
0x2e: {  	s3 =	simm.s32 @!p0 $0x1082;
	s9 =	sld [smem:$0x3FAC]  }
0x2f: {  	lr =	sadd.s32 s0, s3;
	s0 =	sld [smem:$0x3FA3]  }
0x30: {  	s3 =	sld [smem:$0x3FA6]  }
0x31: {  	[smem:$0x3FAF] =	sst s10  }
0x32: {  	s10 =	sld [smem:$0x3FAD];
	_ =	sdelay $0x3  }
0x33: {  	p0 =	seq.s32 s10, $0x1;
	s10 =	sld [smem:$0x3FAF];
	_ =	sdelay $0x3  }
0x34: {  	[smem:$0x3FAF] =	sst s10  }
0x35: {  	s10 =	sld [smem:$0x3FAE];
	_ =	sdelay $0x3  }
0x36: {  	p1 =	seq.s32 s10, $0x1;
	s10 =	sld [smem:$0x3FAF];
	_ =	sdelay $0x3  }
0x37: {  	[smem:$0x3FAF] =	sst s10  }
0x38: {  	s10 =	sld [smem:$0x3FB0]  }
0x39: {  	_ = 	snop;
	(pc) =	sbr.ind lr, $3  }
0x3a: {  	_ = 	snop  }
0x3b: {  	_ = 	snop  }
0x3c: {  	p2 =	seq.s32 s10, $0x1;
	s10 =	sld [smem:$0x3FAF]  }
0x3d: {  	_ =	shalt  }
0x3e: {  	_ =	shalt  }
0x3f: {  	_ =	shalt  }
0x40: {  	_ =	shalt  }
0x41: {  	_ =	shalt  }
0x42: {  	_ =	shalt  }
0x43: {  	_ =	shalt  }
0x44: {  	_ =	shalt  }
0x45: {  	_ =	shalt  }
0x46: {  	_ =	shalt  }
0x47: {  	_ =	shalt  }
0x48: {  	_ =	shalt  }
0x49: {  	_ =	shalt  }
0x4a: {  	_ =	shalt  }
0x4b: {  	_ =	shalt  }
0x4c: {  	_ =	shalt  }
0x4d: {  	_ =	shalt  }
0x4e: {  	_ =	shalt  }
0x4f: {  	_ =	shalt  }
0x50: {  	_ =	shalt  }
0x51: {  	_ =	shalt  }
0x52: {  	_ =	shalt  }
0x53: {  	_ =	shalt  }
0x54: {  	_ =	shalt  }
0x55: {  	_ =	shalt  }
0x56: {  	_ =	shalt  }
0x57: {  	_ =	shalt  }
0x58: {  	_ =	shalt  }
0x59: {  	_ =	shalt  }
0x5a: {  	_ =	shalt  }
0x5b: {  	_ =	shalt  }
0x5c: {  	_ =	shalt  }
0x5d: {  	_ =	shalt  }
0x5e: {  	_ =	shalt  }
0x5f: {  	_ =	shalt  }
0x60: {  	_ =	shalt  }
0x61: {  	_ =	shalt  }
0x62: {  	_ =	shalt  }
0x63: {  	_ =	shalt  }
0x64: {  	_ =	shalt  }
0x65: {  	_ =	shalt  }
0x66: {  	_ =	shalt  }
0x67: {  	_ =	shalt  }
0x68: {  	_ =	shalt  }
0x69: {  	_ =	shalt  }
0x6a: {  	_ =	shalt  }
0x6b: {  	_ =	shalt  }
0x6c: {  	_ =	shalt  }
0x6d: {  	_ =	shalt  }
0x6e: {  	_ =	shalt  }
0x6f: {  	_ =	shalt  }
0x70: {  	_ =	shalt  }
0x71: {  	_ =	shalt  }
0x72: {  	_ =	shalt  }
0x73: {  	_ =	shalt  }
0x74: {  	_ =	shalt  }
0x75: {  	_ =	shalt  }
0x76: {  	_ =	shalt  }
0x77: {  	_ =	shalt  }
0x78: {  	_ =	shalt  }
0x79: {  	_ =	shalt  }
0x7a: {  	_ =	shalt  }
0x7b: {  	_ =	shalt  }
0x7c: {  	_ =	shalt  }
0x7d: {  	_ =	shalt  }
0x7e: {  	_ =	shalt  }
0x7f: {  	_ =	shalt  }
0x80: {  	_ =	shalt  }
0x81: {  	_ =	shalt  }
0x82: {  	_ =	shalt  }
0x83: {  	_ =	shalt  }
0x84: {  	_ =	shalt  }
0x85: {  	_ =	shalt  }
0x86: {  	_ =	shalt  }
0x87: {  	_ =	shalt  }
.Lfunc_end0:
.L_simem_size_0:
called_computation_lowered:
.L_overlay_start_0:
0x88: {  	s2 =	sld [smem:$0x3FD9]  }
0x89: {  	s3 =	sld [smem:$0x3FFE];
	_ =	sdelay $0x1  }
0x8a: {  	s1 =	srdreg.scid  }
0x8b: {  	s0 =	sand.u32 $0x1, s1  }
0x8c: {  	s17 =	sshll.u32 s0, $0xA;
	s2 =	sadd.s32 s3, s2  }
0x8d: {  	s2 =	sadd.s32 s2, s17  }
0x8e: {  	[smem:$0x3FBB] =	sst s2  }
0x8f: {  	_ = 	snop  }
0x90: {  	s2 =	sld [smem:$0x3FC9]  }
0x91: {  	s18 =	sld [smem:$0x3FC8]  }
0x92: {  	s4 =	sld [smem:$0x3FC7]  }
0x93: {  	s5 =	sld [smem:$0x3FC5];
	(tm) =	ssettm $0x1  }
0x94: {  	s6 =	sld [smem:$0x3FFB];
	_ =	sdelay $0x3  }
0x95: {  	_ =	strace s6  }
0x96: {  	s6 =	sld [smem:$0x3FFC];
	_ =	sdelay $0x3  }
0x97: {  	_ =	strace s6  }
0x98: {  	s6 =	sld [smem:$0x3FFD];
	_ =	sdelay $0x3  }
0x99: {  	_ =	strace s6  }
0x9a: {  	_ =	strace $0x8FFFFFFF  }
0x9b: {  	s19 =	sld [smem:$0x3FDB];
	_ =	sdelay $0x1  }
0x9c: {  	s7 =	simm.s32 $_scs_section_size  }
0x9d: {  	s8 =	simm.s32 $_size__tile_overlayer_lowered;
	s9 =	simm.s32 $_tile_overlayer_lowered  }
0x9e: {  	s22 =	simm.s32 $0x1BFF;
	s21 =	sshll.u32 s9, $0x1;
	s6 =	sadd.s32 s7, s19  }
0x9f: {  	s10 =	simm.s32 $0x0;
	s20 =	sshll.u32 s8, $0x1;
	s8 =	sadd.s32 s21, s6  }
0xa0: {  	[timem:s10], [sflag:s22] =	dma.local [hbm:s8], s20  }
0xa1: {  	_ =	swait.ge [sflag:s22], s20  }
0xa2: {  	s7 =	ssub.s32 $0x0, s20;
	[sflag:s22] =	ssyncset.done $0x0  }
0xa3: {  	[sflag:s22] =	ssyncadd.s32 s7;
	_ =	sdelay $0x1  }
0xa4: {  	s23 =	simm.s32 $0x1B8B  }
0xa5: {  	_ =	swait.ge [sflag:s23], $0x1  }
0xa6: {  	[sflag:s23] =	ssyncset.done $0x0  }
0xa7: {  	s25 =	simm.s32 $0x1B8E;
	s24 =	sld [smem:$0x3FFE];
	[sflag:s23] =	ssyncadd.s32 $0xFFFFFFFF  }
0xa8: {  	s26 =	simm.s32 $execute0_lowered;
	[smem:$0x3FD2] =	sst s25  }
0xa9: {  	s8 =	sshll.u32 s26, $0x1;
	_ =	strace $0x80000046;
	[dreg:$0x1] =	wrdreg $0xFFFFFFFF  }
0xaa: {  	s28 =	simm.s32 $_size_execute0_lowered;
	s6 =	sadd.s32 s6, s8;
	[dreg:$0x0] =	wrdreg $0x0  }
0xab: {  	s8 =	sshll.u32 s28, $0x1;
	[dreg:$0x2] =	wrdreg s6  }
0xac: {  	[dreg:$0x3] =	wrdreg s8  }
0xad: {  	[dreg:$0x4] =	wrdreg $0xC0  }
0xae: {  	_ =	task [dreg:s10], $0x5FFFF  }
0xaf: {  	[dreg:$0x1] =	wrdreg $0xFFFFFFFF  }
0xb0: {  	[dreg:$0x0] =	wrdreg $0x60  }
0xb1: {  	[dreg:$0x2] =	wrdreg s5  }
0xb2: {  	[dreg:$0x3] =	wrdreg s2  }
0xb3: {  	[dreg:$0x4] =	wrdreg s18  }
0xb4: {  	[dreg:$0x5] =	wrdreg s4  }
0xb5: {  	[dreg:$0x6] =	wrdreg s24  }
0xb6: {  	[dreg:$0x7] =	wrdreg $0x9  }
0xb7: {  	_ =	task.clear_ibuf [dreg:s10], $0x8FFFF;
	_ =	strace $0x90000046  }
0xb8: {  	s29 =	simm.s32 $0x9;
	_ =	strace $0x80000048  }
0xb9: {  	_ =	swait.ge [sflag:s29], $0x1  }
0xba: {  	[sflag:s29] =	ssyncadd.s32 $0xFFFFFFFF  }
0xbb: {  	_ =	strace $0x90000048  }
0xbc: {  	_ =	sfence  }
0xbd: {  	s30 =	sld [smem:$0x0];
	_ =	sdelay $0x2  }
0xbe: {  	s31 =	sshll.u32 s1, $0xD;
	s1 =	sshrl.u32 s1, $0x2  }
0xbf: {  	s3 =	sand.u32 $0x4000, s31;
	s1 =	sadd.s32 s1, s30  }
0xc0: {  	s0 =	sor.u32 s3, s0;
	s1 =	sshll.u32 s1, $0x11  }
0xc1: {  	s0 =	sor.u32 s1, s0  }
0xc2: {  	s0 =	sadd.s32 $0x8F2B, s0  }
0xc3: {  	[sflag:s0] =	ssyncadd.remote.s32 $0x1  }
0xc4: {  	_ =	sfence.sel $0xFFFF  }
0xc5: {  	[dreg:$0x0] =	wrdreg $0xFFFFFFFF;
	(pc) =	sbr.abs _section_cstart, $3  }
0xc6: {  	[dreg:$0x1] =	wrdreg $0xFFFFFFFF  }
0xc7: {  	_ =	task.clear_ibuf [dreg:s10], $0x2FFFF;
	_ =	strace $0x9FFFFFFF  }
0xc8: {  	(tm) =	ssettm $0x7FFFFFFF  }
0xc9: {  	_ =	shalt  }
tec
execute0_lowered:
.L_overlay_start_1:
0x0: {  	(tag) =	ssettag $0x1  }
0x1: {  	s1 =	rddreg [dreg:$0x0]  }
0x2: {  	s4 =	rddreg [dreg:$0x1]  }
0x3: {  	s6 =	rddreg [dreg:$0x2];
	s2 =	srdreg.scid  }
0x4: {  	s8 =	rddreg [dreg:$0x3];
	s0 =	stileid.u32;
	s25 =	sand.u32 $0x1, s2  }
0x5: {  	s23 =	rddreg [dreg:$0x4];
	s5 =	sshll.u32 s0, $0xA;
	s7 =	sshll.u32 s25, $0x9  }
0x6: {  	s3 =	simm.s32 $0x0;
	s2 =	rddreg [dreg:$0x5];
	s14 =	sor.u32 s7, s5  }
0x7: {  	[smem:$0x7FF] =	sst s3;
	s9 =	sshrl.u32 s14, $0x3  }
0x8: {  	_ =	strace $0x80000047;
	s5 =	simm.s32 $0x5;
	s4 =	sadd.s32 s4, s9  }
0x9: {  	[tilespmem:s3], [sflag:$0x5] =	stream.linear.gather [hbm4b:s4+s3], $0x200, $0x38;
	[tilespmem:$0x10600] =	vst v63  }
0xa: {  	_ =	swait.ge [sflag:s5], $0x200  }
0xb: {  	[sflag:s5] =	ssyncset.done $0x0  }
0xc: {  	s7 =	simm.s32 $0x200;
	s6 =	sadd.s32 s6, s9;
	[sflag:s5] =	ssyncadd.s32 $0xFFFFFE00  }
0xd: {  	[tilespmem:s7], [sflag:$0x5] =	stream.linear.gather [hbm4b:s6+s3], $0x200, $0x38;
	[tilespmem:$0x10600] =	vst v63  }
0xe: {  	_ =	swait.ge [sflag:s5], $0x200  }
0xf: {  	[sflag:s5] =	ssyncset.done $0x0  }
0x10: {  	s8 =	sadd.s32 s8, s9;
	s9 =	simm.s32 $0x400;
	[sflag:s5] =	ssyncadd.s32 $0xFFFFFE00  }
0x11: {  	[tilespmem:s9], [sflag:$0x5] =	stream.linear.gather [hbm4b:s8+s3], $0x200, $0x38;
	[tilespmem:$0x10600] =	vst v63  }
0x12: {  	_ =	swait.ge [sflag:s5], $0x200  }
0x13: {  	[sflag:s5] =	ssyncset.done $0x0  }
0x14: {  	s10 =	simm.s32 $0x100;
	s11 =	simm.s32 $0x600;
	[sflag:s5] =	ssyncadd.s32 $0xFFFFFE00  }
0x15: {  	[tilespmem:s11], [sflag:$0x1] =	stream.indirect.gather [hbm4b:s1+s10], $0x80, s3, s10, $0xb8;
	[tilespmem:$0x10600] =	vst v63  }
0x16: {  	s12 =	simm.s32 $0x8600;
	s13 =	simm.s32 $0x1  }
0x17: {  	[tilespmem:s12], [sflag:$0x2] =	stream.indirect.gather [hbm4b:s1+s10], $0x80, s10, s10, $0xb8;
	[tilespmem:$0x10600] =	vst v63  }
0x18: {  	_ =	swait.ge [sflag:s13], $0x8000  }
0x19: {  	s17 =	sadd.s32 $0x1A00, s23;
	s24 =	sshll.u32 s14, $0x4;
	[sflag:s13] =	ssyncset.done $0x0  }
0x1a: {  	s15 =	simm.s32 $0x3;
	s14 =	sadd.s32 s17, s24;
	[sflag:s13] =	ssyncadd.s32 $0xFFFF8000  }
0x1b: {  	[hbm4b:s14+s3] =	stream.linear.scatter [tilespmem:s11], [sflag:$0x3], $0x8000, $0x38;
	[tilespmem:$0x10600] =	vst v63  }
0x1c: {  	_ =	swait.ge [sflag:s15], $0x8000  }
0x1d: {  	[sflag:s15] =	ssyncset.done $0x0  }
0x1e: {  	s16 =	simm.s32 $0x2;
	[sflag:s15] =	ssyncadd.s32 $0xFFFF8000  }
0x1f: {  	[tilespmem:s11], [sflag:$0x1] =	stream.indirect.gather [hbm4b:s1+s10], $0x80, s7, s10, $0xb8;
	[tilespmem:$0x10600] =	vst v63  }
0x20: {  	_ =	swait.ge [sflag:s16], $0x8000  }
0x21: {  	s26 =	sor.u32 $0x1000, s24;
	[sflag:s16] =	ssyncset.done $0x0  }
0x22: {  	s18 =	sadd.s32 s17, s26;
	s17 =	simm.s32 $0x4;
	[sflag:s16] =	ssyncadd.s32 $0xFFFF8000  }
0x23: {  	[hbm4b:s18+s3] =	stream.linear.scatter [tilespmem:s12], [sflag:$0x4], $0x8000, $0x38;
	[tilespmem:$0x10600] =	vst v63  }
0x24: {  	_ =	swait.ge [sflag:s17], $0x8000  }
0x25: {  	[sflag:s17] =	ssyncset.done $0x0  }
0x26: {  	s19 =	simm.s32 $0x300;
	[sflag:s17] =	ssyncadd.s32 $0xFFFF8000  }
0x27: {  	[tilespmem:s12], [sflag:$0x2] =	stream.indirect.gather [hbm4b:s1+s10], $0x80, s19, s10, $0xb8;
	[tilespmem:$0x10600] =	vst v63  }
0x28: {  	_ =	swait.ge [sflag:s13], $0x8000  }
0x29: {  	s21 =	sadd.s32 $0x41A00, s23;
	[sflag:s13] =	ssyncset.done $0x0  }
0x2a: {  	s20 =	sadd.s32 s21, s24;
	[sflag:s13] =	ssyncadd.s32 $0xFFFF8000  }
0x2b: {  	[hbm4b:s20+s3] =	stream.linear.scatter [tilespmem:s11], [sflag:$0x3], $0x8000, $0x38;
	[tilespmem:$0x10600] =	vst v63  }
0x2c: {  	_ =	swait.ge [sflag:s15], $0x8000  }
0x2d: {  	[sflag:s15] =	ssyncset.done $0x0  }
0x2e: {  	[sflag:s15] =	ssyncadd.s32 $0xFFFF8000  }
0x2f: {  	[tilespmem:s11], [sflag:$0x1] =	stream.indirect.gather [hbm4b:s1+s10], $0x80, s9, s10, $0xb8;
	[tilespmem:$0x10600] =	vst v63  }
0x30: {  	_ =	swait.ge [sflag:s16], $0x8000  }
0x31: {  	[sflag:s16] =	ssyncset.done $0x0  }
0x32: {  	s21 =	sadd.s32 s21, s26;
	[sflag:s16] =	ssyncadd.s32 $0xFFFF8000  }
0x33: {  	[hbm4b:s21+s3] =	stream.linear.scatter [tilespmem:s12], [sflag:$0x4], $0x8000, $0x38;
	[tilespmem:$0x10600] =	vst v63  }
0x34: {  	_ =	swait.ge [sflag:s17], $0x8000  }
0x35: {  	[sflag:s17] =	ssyncset.done $0x0  }
0x36: {  	s22 =	simm.s32 $0x500;
	[sflag:s17] =	ssyncadd.s32 $0xFFFF8000  }
0x37: {  	[tilespmem:s12], [sflag:$0x2] =	stream.indirect.gather [hbm4b:s1+s10], $0x80, s22, s10, $0xb8;
	[tilespmem:$0x10600] =	vst v63  }
0x38: {  	_ =	swait.ge [sflag:s13], $0x8000  }
0x39: {  	s28 =	sadd.s32 $0x81A00, s23;
	s25 =	ssub.s32 $0x2, s25;
	[sflag:s13] =	ssyncset.done $0x0  }
0x3a: {  	s31 =	sshrl.u32 s25, $0x1;
	s23 =	sadd.s32 s28, s24;
	[sflag:s13] =	ssyncadd.s32 $0xFFFF8000  }
0x3b: {  	[hbm4b:s23+s3] =	stream.linear.scatter [tilespmem:s11], [sflag:$0x3], $0x8000, $0x38;
	[tilespmem:$0x10600] =	vst v63  }
0x3c: {  	s25 =	ssub.s32 s25, s31;
	_ =	swait.ge [sflag:s16], $0x8000  }
0x3d: {  	s25 =	smax.u32 s25, $0x1;
	[sflag:s16] =	ssyncset.done $0x0  }
0x3e: {  	s24 =	sadd.s32 s28, s26;
	p0 =	sne.s32 s25, $0x1;
	[sflag:s16] =	ssyncadd.s32 $0xFFFF8000  }
0x3f: {  	[hbm4b:s24+s3] =	stream.linear.scatter [tilespmem:s12], [sflag:$0x4], $0x8000, $0x38;
	[tilespmem:$0x10600] =	vst v63  }
.Ltmp0:
0x40: {  	_ =	swait.ge [sflag:s15], $0x8000;
	(pc) =	sbr.rel @!p0 .LBB2_2-.Ltmp0, $4  }
0x41: {  	[sflag:s15] =	ssyncset.done $0x0  }
0x42: {  	[sflag:s15] =	ssyncadd.s32 $0xFFFF8000  }
0x43: {  	_ =	swait.ge [sflag:s17], $0x8000  }
0x44: {  	s25 =	sadd.s32 $0xFFFFFFFF, s25;
	[sflag:s17] =	ssyncset.done $0x0  }
.LBB2_1:
0x45: {  	p0 =	sne.s32 s25, $0x1;
	s25 =	sadd.s32 $0xFFFFFFFF, s25;
	[sflag:s17] =	ssyncadd.s32 $0xFFFF8000  }
0x46: {  	[tilespmem:s3], [sflag:$0x5] =	stream.linear.gather [hbm4b:s4+s3], $0x200, $0x38;
	[tilespmem:$0x10600] =	vst v63  }
0x47: {  	_ =	swait.ge [sflag:s5], $0x200  }
0x48: {  	[sflag:s5] =	ssyncset.done $0x0  }
0x49: {  	[sflag:s5] =	ssyncadd.s32 $0xFFFFFE00  }
0x4a: {  	[tilespmem:s7], [sflag:$0x5] =	stream.linear.gather [hbm4b:s6+s3], $0x200, $0x38;
	[tilespmem:$0x10600] =	vst v63  }
0x4b: {  	_ =	swait.ge [sflag:s5], $0x200  }
0x4c: {  	[sflag:s5] =	ssyncset.done $0x0  }
0x4d: {  	[sflag:s5] =	ssyncadd.s32 $0xFFFFFE00  }
0x4e: {  	[tilespmem:s9], [sflag:$0x5] =	stream.linear.gather [hbm4b:s8+s3], $0x200, $0x38;
	[tilespmem:$0x10600] =	vst v63  }
0x4f: {  	_ =	swait.ge [sflag:s5], $0x200  }
0x50: {  	[sflag:s5] =	ssyncset.done $0x0  }
0x51: {  	[sflag:s5] =	ssyncadd.s32 $0xFFFFFE00  }
0x52: {  	[tilespmem:s11], [sflag:$0x1] =	stream.indirect.gather [hbm4b:s1+s10], $0x80, s3, s10, $0xb8;
	[tilespmem:$0x10600] =	vst v63  }
0x53: {  	_ = 	snop  }
0x54: {  	[tilespmem:s12], [sflag:$0x2] =	stream.indirect.gather [hbm4b:s1+s10], $0x80, s10, s10, $0xb8;
	[tilespmem:$0x10600] =	vst v63  }
0x55: {  	_ =	swait.ge [sflag:s13], $0x8000  }
0x56: {  	[sflag:s13] =	ssyncset.done $0x0  }
0x57: {  	[sflag:s13] =	ssyncadd.s32 $0xFFFF8000  }
0x58: {  	[hbm4b:s14+s3] =	stream.linear.scatter [tilespmem:s11], [sflag:$0x3], $0x8000, $0x38;
	[tilespmem:$0x10600] =	vst v63  }
0x59: {  	_ =	swait.ge [sflag:s15], $0x8000  }
0x5a: {  	[sflag:s15] =	ssyncset.done $0x0  }
0x5b: {  	[sflag:s15] =	ssyncadd.s32 $0xFFFF8000  }
0x5c: {  	[tilespmem:s11], [sflag:$0x1] =	stream.indirect.gather [hbm4b:s1+s10], $0x80, s7, s10, $0xb8;
	[tilespmem:$0x10600] =	vst v63  }
0x5d: {  	_ =	swait.ge [sflag:s16], $0x8000  }
0x5e: {  	[sflag:s16] =	ssyncset.done $0x0  }
0x5f: {  	[sflag:s16] =	ssyncadd.s32 $0xFFFF8000  }
0x60: {  	[hbm4b:s18+s3] =	stream.linear.scatter [tilespmem:s12], [sflag:$0x4], $0x8000, $0x38;
	[tilespmem:$0x10600] =	vst v63  }
0x61: {  	_ =	swait.ge [sflag:s17], $0x8000  }
0x62: {  	[sflag:s17] =	ssyncset.done $0x0  }
0x63: {  	[sflag:s17] =	ssyncadd.s32 $0xFFFF8000  }
0x64: {  	[tilespmem:s12], [sflag:$0x2] =	stream.indirect.gather [hbm4b:s1+s10], $0x80, s19, s10, $0xb8;
	[tilespmem:$0x10600] =	vst v63  }
0x65: {  	_ =	swait.ge [sflag:s13], $0x8000  }
0x66: {  	[sflag:s13] =	ssyncset.done $0x0  }
0x67: {  	[sflag:s13] =	ssyncadd.s32 $0xFFFF8000  }
0x68: {  	[hbm4b:s20+s3] =	stream.linear.scatter [tilespmem:s11], [sflag:$0x3], $0x8000, $0x38;
	[tilespmem:$0x10600] =	vst v63  }
0x69: {  	_ =	swait.ge [sflag:s15], $0x8000  }
0x6a: {  	[sflag:s15] =	ssyncset.done $0x0  }
0x6b: {  	[sflag:s15] =	ssyncadd.s32 $0xFFFF8000  }
0x6c: {  	[tilespmem:s11], [sflag:$0x1] =	stream.indirect.gather [hbm4b:s1+s10], $0x80, s9, s10, $0xb8;
	[tilespmem:$0x10600] =	vst v63  }
0x6d: {  	_ =	swait.ge [sflag:s16], $0x8000  }
0x6e: {  	[sflag:s16] =	ssyncset.done $0x0  }
0x6f: {  	[sflag:s16] =	ssyncadd.s32 $0xFFFF8000  }
0x70: {  	[hbm4b:s21+s3] =	stream.linear.scatter [tilespmem:s12], [sflag:$0x4], $0x8000, $0x38;
	[tilespmem:$0x10600] =	vst v63  }
0x71: {  	_ =	swait.ge [sflag:s17], $0x8000  }
0x72: {  	[sflag:s17] =	ssyncset.done $0x0  }
0x73: {  	[sflag:s17] =	ssyncadd.s32 $0xFFFF8000  }
0x74: {  	[tilespmem:s12], [sflag:$0x2] =	stream.indirect.gather [hbm4b:s1+s10], $0x80, s22, s10, $0xb8;
	[tilespmem:$0x10600] =	vst v63  }
0x75: {  	_ =	swait.ge [sflag:s13], $0x8000  }
0x76: {  	[sflag:s13] =	ssyncset.done $0x0  }
0x77: {  	[sflag:s13] =	ssyncadd.s32 $0xFFFF8000  }
0x78: {  	[hbm4b:s23+s3] =	stream.linear.scatter [tilespmem:s11], [sflag:$0x3], $0x8000, $0x38;
	[tilespmem:$0x10600] =	vst v63  }
0x79: {  	_ =	swait.ge [sflag:s16], $0x8000  }
0x7a: {  	[sflag:s16] =	ssyncset.done $0x0  }
0x7b: {  	[sflag:s16] =	ssyncadd.s32 $0xFFFF8000  }
0x7c: {  	[hbm4b:s24+s3] =	stream.linear.scatter [tilespmem:s12], [sflag:$0x4], $0x8000, $0x38;
	[tilespmem:$0x10600] =	vst v63  }
.Ltmp1:
0x7d: {  	_ =	swait.ge [sflag:s15], $0x8000;
	(pc) =	sbr.rel @p0 .LBB2_1-.Ltmp1, $4  }
0x7e: {  	[sflag:s15] =	ssyncset.done $0x0  }
0x7f: {  	[sflag:s15] =	ssyncadd.s32 $0xFFFF8000  }
0x80: {  	_ =	swait.ge [sflag:s17], $0x8000  }
0x81: {  	[sflag:s17] =	ssyncset.done $0x0  }
.LBB2_2:
0x82: {  	[sflag:s17] =	ssyncadd.s32 $0xFFFF8000  }
0x83: {  	_ =	sfence.sel $0x180000  }
0x84: {  	[bflag:$0x0] =	sbarrier.arrive $0xFFFF  }
0x85: {  	p0 =	sne.s32 s0, $0x0;
	_ =	strace $0x90000047  }
0x86: {  	s0 =	sadd.s32 @!p0 $0x100000, s2;
	[bflag:$0x2] =	sbarrier.arrive $0xFFFF  }
0x87: {  	[sflag:s0] =	ssyncadd.tile.s32 @!p0 $0x1;
	_ =	shalt  }
.Lfunc_end2:
_tile_overlayer_lowered:
.L_overlay_start_2:
0x88: {  	(tag) =	ssettag $0x2  }
0x89: {  	s0 =	rddreg [dreg:$0x0];
	s2 =	stileid.u32  }
0x8a: {  	s1 =	rddreg [dreg:$0x1];
	p0 =	sne.s32 s2, $0x0  }
0x8b: {  	s3 =	rddreg [dreg:$0x2];
	[bflag:$0x3] =	sbarrier.arrive $0xFFFF;
	s2 =	simm.s32 @!p0 $0x1C05  }
0x8c: {  	[timem:s3], [sflag:s2] =	dma.local @!p0 [hbm:s0], s1  }
0x8d: {  	s0 =	simm.s32 @!p0 $0x5  }
0x8e: {  	_ =	swait.ge @!p0 [sflag:s0], s1  }
0x8f: {  	s1 =	ssub.s32 @!p0 $0x0, s1;
	[sflag:s0] =	ssyncset.done @!p0 $0x0  }
0x90: {  	[sflag:s0] =	ssyncadd.s32 @!p0 s1  }
0x91: {  	[bflag:$0x3] =	sbarrier.arrive $0xFFFF  }
0x92: {  	_ =	shalt  }

</sc_bundles>
